<compile_context>
chip_gen: v7x
topology: tpu7x:2x2x1
jax: 0.10.2.dev20260603
libtpu: 0.0.44.dev20260713+nightly
codegen_flags: <defaults>
</compile_context>

<pallas_src>
import functools

import jax
import jax.numpy as jnp
import numpy as np
from jax import lax
from jax.experimental import pallas as pl
from jax.experimental.pallas import tpu as pltpu
from jax.experimental.pallas import tpu_sc as plsc

N = 10000
D_IN = 128
HID = 64
ACC_W = 80

HEADS_L1 = ((0,), (16,), (32,), (48,))
HEADS_L23 = ((0, 16), (32, 48))


def _sel_const():
    g1 = np.zeros((64, 8), np.float32)
    for c in range(64):
        g1[c, c // 16] = 1.0
    g23 = np.zeros((64, 8), np.float32)
    for c in range(64):
        g23[c, c // 32] = 1.0
    s64 = np.zeros((ACC_W, 64), np.float32)
    s64[:64] = np.eye(64, dtype=np.float32)
    sden1 = np.zeros((ACC_W, 64), np.float32)
    for h in range(4):
        sden1[64 + h, 16 * h:16 * (h + 1)] = 1.0
    sden23 = np.zeros((ACC_W, 64), np.float32)
    sden23[64, 0:32] = 1.0
    sden23[65, 32:64] = 1.0
    return g1, g1.T.copy(), g23, g23.T.copy(), s64, sden1, sden23


_G1, _GT1, _G23, _GT23, _S64, _SDEN1, _SDEN23 = _sel_const()



def _proj_body(x_ref, wl_ref, bl_ref, wr_ref, br_ref, attf_ref, g_ref,
               xl_ref, xr_ref, t_ref):
    xb = x_ref[...]
    xl = lax.dot_general(xb, wl_ref[...], (((1,), (0,)), ((), ())),
                         preferred_element_type=jnp.float32) + bl_ref[...]
    xr = lax.dot_general(xb, wr_ref[...], (((1,), (0,)), ((), ())),
                         preferred_element_type=jnp.float32) + br_ref[...]
    s = xl + xr
    m = jnp.maximum(s, 0.2 * s) * attf_ref[...]
    t_ref[...] = lax.dot_general(m, g_ref[...], (((1,), (0,)), ((), ())),
                                 preferred_element_type=jnp.float32)
    xl_ref[...] = xl
    xr_ref[...] = xr


def _proj_call(x, wl, bl, wr, br, attf, g, blk=1000):
    n, d = x.shape
    fout = wl.shape[1]
    grid = (n // blk,)
    return pl.pallas_call(
        _proj_body,
        grid=grid,
        in_specs=[
            pl.BlockSpec((blk, d), lambda i: (i, 0)),
            pl.BlockSpec((d, fout), lambda i: (0, 0)),
            pl.BlockSpec((1, fout), lambda i: (0, 0)),
            pl.BlockSpec((d, fout), lambda i: (0, 0)),
            pl.BlockSpec((1, fout), lambda i: (0, 0)),
            pl.BlockSpec((1, fout), lambda i: (0, 0)),
            pl.BlockSpec((fout, 8), lambda i: (0, 0)),
        ],
        out_specs=[
            pl.BlockSpec((blk, fout), lambda i: (i, 0)),
            pl.BlockSpec((blk, fout), lambda i: (i, 0)),
            pl.BlockSpec((blk, 8), lambda i: (i, 0)),
        ],
        out_shape=[
            jax.ShapeDtypeStruct((n, fout), jnp.float32),
            jax.ShapeDtypeStruct((n, fout), jnp.float32),
            jax.ShapeDtypeStruct((n, 8), jnp.float32),
        ],
    )(x, wl, bl, wr, br, attf, g)




def _make_edge_kernel(n_acc, n_edges, heads, e_chunk, interpret=False):
    mesh = plsc.VectorSubcoreMesh(core_axis_name="c", subcore_axis_name="s",
                                  num_cores=2, num_subcores=16)
    nw = 32
    per_w = n_edges // nw
    n_chunks = per_w // e_chunk
    rows_per_tile = n_acc // 16
    seg_list = tuple(s for segs in heads for s in segs)

    @functools.partial(
        pl.kernel,
        out_type=jax.ShapeDtypeStruct((2, n_acc, ACC_W), jnp.float32),
        mesh=mesh,
        scratch_types=[
            pltpu.VMEM((e_chunk,), jnp.int32),
            pltpu.VMEM((e_chunk,), jnp.int32),
            pltpu.VMEM((e_chunk, 64), jnp.float32),
            pltpu.VMEM((e_chunk, 64), jnp.float32),
            pltpu.VMEM((e_chunk, ACC_W), jnp.float32),
            pltpu.VMEM((64,), jnp.float32),
            pltpu.VMEM_SHARED((n_acc, ACC_W), jnp.float32),
            pltpu.SemaphoreType.DMA,
        ],
        compiler_params=pltpu.CompilerParams(needs_layout_passes=False,
                                             use_tc_tiling_on_sc=False),
        interpret=interpret,
    )
    def edge_kernel(src_hbm, dst_hbm, xl_hbm, xr_hbm, attf_hbm, zeros_hbm,
                    out_hbm, srcv, dstv, xlv, xrv, valsv, attv, acc_sp, sem):
        cid = lax.axis_index("c")
        sid = lax.axis_index("s")
        wid = sid * 2 + cid
        pltpu.sync_copy(zeros_hbm,
                        acc_sp.at[pl.ds(sid * rows_per_tile, rows_per_tile)])
        pltpu.sync_copy(attf_hbm, attv)
        plsc.subcore_barrier()
        att_regs = {s: attv[pl.ds(s, 16)] for s in seg_list}
        lane = lax.iota(jnp.int32, 16)
        base_w = wid * per_w

        def edge_body(e, carry):
            pden = jnp.zeros((16,), jnp.float32)
            for h, segs in enumerate(heads):
                a = None
                xl_regs = []
                for s in segs:
                    xl_h = xlv[e, pl.ds(s, 16)]
                    xr_h = xrv[e, pl.ds(s, 16)]
                    sm = xl_h + xr_h
                    m = jnp.maximum(sm, 0.2 * sm) * att_regs[s]
                    part = jnp.sum(m)
                    a = part if a is None else a + part
                    xl_regs.append((s, xl_h))
                pvec = jnp.exp(jnp.full((16,), a, jnp.float32))
                for s, xl_h in xl_regs:
                    valsv[e, pl.ds(s, 16)] = pvec * xl_h
                pden = jnp.where(lane == h, pvec, pden)
            valsv[e, pl.ds(64, 16)] = pden
            return carry

        def chunk_body(ci, carry):
            base = base_w + ci * e_chunk
            pltpu.sync_copy(src_hbm.at[pl.ds(base, e_chunk)], srcv)
            pltpu.sync_copy(dst_hbm.at[pl.ds(base, e_chunk)], dstv)
            cp1 = pltpu.async_copy(xl_hbm.at[srcv], xlv, sem)
            cp2 = pltpu.async_copy(xr_hbm.at[dstv], xrv, sem)
            cp1.wait()
            cp2.wait()
            lax.fori_loop(0, e_chunk, edge_body, 0, unroll=2)
            pltpu.sync_copy(valsv, acc_sp.at[dstv], add=True)
            return carry

        lax.fori_loop(0, n_chunks, chunk_body, 0)
        plsc.subcore_barrier()
        pltpu.sync_copy(
            acc_sp.at[pl.ds(sid * rows_per_tile, rows_per_tile)],
            out_hbm.at[cid, pl.ds(sid * rows_per_tile, rows_per_tile)])

    return edge_kernel



def _epi1_body(acc_ref, xl1_ref, t1_ref, s64_ref, sden_ref, gt1_ref, b1_ref,
               wl23_ref, bl23_ref, wr23_ref, br23_ref, att23_ref, g23_ref,
               src23_ref, dst23_ref, t23_ref):
    acc = acc_ref[0] + acc_ref[1]
    pfull = lax.dot_general(jnp.exp(t1_ref[...]), gt1_ref[...],
                            (((1,), (0,)), ((), ())),
                            preferred_element_type=jnp.float32)
    num = lax.dot_general(acc, s64_ref[...], (((1,), (0,)), ((), ())),
                          preferred_element_type=jnp.float32) \
        + pfull * xl1_ref[...]
    den = lax.dot_general(acc, sden_ref[...], (((1,), (0,)), ((), ())),
                          preferred_element_type=jnp.float32) + pfull
    hb = jnp.maximum(num / den + b1_ref[...], 0.0)
    src23 = lax.dot_general(hb, wl23_ref[...], (((1,), (0,)), ((), ())),
                            preferred_element_type=jnp.float32) + bl23_ref[...]
    dst23 = lax.dot_general(hb, wr23_ref[...], (((1,), (0,)), ((), ())),
                            preferred_element_type=jnp.float32) + br23_ref[...]
    s = src23 + dst23
    m = jnp.maximum(s, 0.2 * s) * att23_ref[...]
    t23_ref[...] = lax.dot_general(m, g23_ref[...], (((1,), (0,)), ((), ())),
                                   preferred_element_type=jnp.float32)
    src23_ref[...] = src23
    dst23_ref[...] = dst23


def _epi1_call(acc1, xl1, t1, b1r, wl23, bl23, wr23, br23, att23, blk=1000):
    n = xl1.shape[0]
    grid = (n // blk,)
    c0 = lambda i: (0, 0)
    return pl.pallas_call(
        _epi1_body,
        grid=grid,
        in_specs=[
            pl.BlockSpec((2, blk, ACC_W), lambda i: (0, i, 0)),
            pl.BlockSpec((blk, 64), lambda i: (i, 0)),
            pl.BlockSpec((blk, 8), lambda i: (i, 0)),
            pl.BlockSpec((ACC_W, 64), c0),
            pl.BlockSpec((ACC_W, 64), c0),
            pl.BlockSpec((8, 64), c0),
            pl.BlockSpec((1, 64), c0),
            pl.BlockSpec((64, 64), c0),
            pl.BlockSpec((1, 64), c0),
            pl.BlockSpec((64, 64), c0),
            pl.BlockSpec((1, 64), c0),
            pl.BlockSpec((1, 64), c0),
            pl.BlockSpec((64, 8), c0),
        ],
        out_specs=[
            pl.BlockSpec((blk, 64), lambda i: (i, 0)),
            pl.BlockSpec((blk, 64), lambda i: (i, 0)),
            pl.BlockSpec((blk, 8), lambda i: (i, 0)),
        ],
        out_shape=[
            jax.ShapeDtypeStruct((n, 64), jnp.float32),
            jax.ShapeDtypeStruct((n, 64), jnp.float32),
            jax.ShapeDtypeStruct((n, 8), jnp.float32),
        ],
    )(acc1, xl1, t1, jnp.asarray(_S64), jnp.asarray(_SDEN1),
      jnp.asarray(_GT1), b1r, wl23, bl23, wr23, br23, att23,
      jnp.asarray(_G23))



def _epi2_body(acc_ref, src23_ref, t23_ref, s64_ref, sden_ref, gt23_ref,
               b23_ref, out_ref):
    acc = acc_ref[0] + acc_ref[1]
    pfull = lax.dot_general(jnp.exp(t23_ref[...]), gt23_ref[...],
                            (((1,), (0,)), ((), ())),
                            preferred_element_type=jnp.float32)
    num = lax.dot_general(acc, s64_ref[...], (((1,), (0,)), ((), ())),
                          preferred_element_type=jnp.float32) \
        + pfull * src23_ref[...]
    den = lax.dot_general(acc, sden_ref[...], (((1,), (0,)), ((), ())),
                          preferred_element_type=jnp.float32) + pfull
    out_ref[...] = num / den + b23_ref[...]


def _epi2_call(acc23, src23, t23, b23, blk=1000):
    n = src23.shape[0]
    grid = (n // blk,)
    c0 = lambda i: (0, 0)
    return pl.pallas_call(
        _epi2_body,
        grid=grid,
        in_specs=[
            pl.BlockSpec((2, blk, ACC_W), lambda i: (0, i, 0)),
            pl.BlockSpec((blk, 64), lambda i: (i, 0)),
            pl.BlockSpec((blk, 8), lambda i: (i, 0)),
            pl.BlockSpec((ACC_W, 64), c0),
            pl.BlockSpec((ACC_W, 64), c0),
            pl.BlockSpec((8, 64), c0),
            pl.BlockSpec((1, 64), c0),
        ],
        out_specs=pl.BlockSpec((blk, 64), lambda i: (i, 0)),
        out_shape=jax.ShapeDtypeStruct((n, 64), jnp.float32),
    )(acc23, src23, t23, jnp.asarray(_S64), jnp.asarray(_SDEN23),
      jnp.asarray(_GT23), b23)



def kernel(x, edge_index, Wl1, bl1, Wr1, br1, att1, b1,
           Wl2, bl2, Wr2, br2, att2, b2,
           Wl3, bl3, Wr3, br3, att3, b3):
    n = x.shape[0]
    n_acc = ((n + 127) // 128) * 128
    e = edge_index.shape[1]
    src = edge_index[0]
    dst = edge_index[1]
    att1f = att1.reshape(1, -1).astype(jnp.float32)
    att23 = jnp.concatenate([att2.reshape(-1), att3.reshape(-1)]
                            ).reshape(1, -1).astype(jnp.float32)
    zeros = jnp.zeros((n_acc // 16, ACC_W), jnp.float32)

    xl1, xr1, t1 = _proj_call(x, Wl1, bl1.reshape(1, -1), Wr1,
                              br1.reshape(1, -1), att1f, jnp.asarray(_G1))

    ek1 = _make_edge_kernel(n_acc, e, HEADS_L1, e_chunk=80)
    acc1 = ek1(src, dst, xl1, xr1, att1f.reshape(-1), zeros)

    wl23 = jnp.concatenate([Wl2, Wl3], axis=1)
    wr23 = jnp.concatenate([Wr2, Wr3], axis=1)
    bl23 = jnp.concatenate([bl2, bl3]).reshape(1, -1)
    br23 = jnp.concatenate([br2, br3]).reshape(1, -1)
    src23, dst23, t23 = _epi1_call(acc1, xl1, t1, b1.reshape(1, -1),
                                   wl23, bl23, wr23, br23, att23)

    ek23 = _make_edge_kernel(n_acc, e, HEADS_L23, e_chunk=80)
    acc23 = ek23(src, dst, src23, dst23, att23.reshape(-1), zeros)

    b23 = jnp.concatenate([b2, b3]).reshape(1, -1)
    out64 = _epi2_call(acc23, src23, t23, b23)
    return out64[:, :32], out64[:, 32:]

# --- scband reference (transcript-rebuilt; emitter-appended) ---
"""Pipeline reference for scband-gatvgaeencoder-12481174962432 (READ-ONLY COPY).

The authoritative reference and input builder live on the scoring server;
editing this copy changes nothing except your own understanding.
"""

import jax, jax.numpy as jnp
import numpy as np

N = 10000
E = 320000
D_IN = 128
H1, C1 = 4, 16
HID = H1 * C1
C_OUT = 32


def setup_inputs(seed: int = 0) -> dict:
    key = jax.random.key(seed)
    ks = jax.random.split(key, 16)
    x = jax.random.normal(ks[0], (N, D_IN), dtype=jnp.float32)
    edge_index = jax.random.randint(ks[1], (2, E), 0, N, dtype=jnp.int32)

    def lin(k, fin, fout):
        k1, k2 = jax.random.split(k)
        W = jax.random.normal(k1, (fin, fout), dtype=jnp.float32) * (1.0 / np.sqrt(fin))
        b = jnp.zeros((fout,), dtype=jnp.float32)
        return W, b

    Wl1, bl1 = lin(ks[2], D_IN, H1 * C1)
    Wr1, br1 = lin(ks[3], D_IN, H1 * C1)
    att1 = jax.random.normal(ks[4], (H1, C1), dtype=jnp.float32) * 0.1
    b1 = jnp.zeros((H1 * C1,), dtype=jnp.float32)
    Wl2, bl2 = lin(ks[5], HID, C_OUT)
    Wr2, br2 = lin(ks[6], HID, C_OUT)
    att2 = jax.random.normal(ks[7], (1, C_OUT), dtype=jnp.float32) * 0.1
    b2 = jnp.zeros((C_OUT,), dtype=jnp.float32)
    Wl3, bl3 = lin(ks[8], HID, C_OUT)
    Wr3, br3 = lin(ks[9], HID, C_OUT)
    att3 = jax.random.normal(ks[10], (1, C_OUT), dtype=jnp.float32) * 0.1
    b3 = jnp.zeros((C_OUT,), dtype=jnp.float32)
    return {"x": x, "edge_index": edge_index,
            "Wl1": Wl1, "bl1": bl1, "Wr1": Wr1, "br1": br1, "att1": att1, "b1": b1,
            "Wl2": Wl2, "bl2": bl2, "Wr2": Wr2, "br2": br2, "att2": att2, "b2": b2,
            "Wl3": Wl3, "bl3": bl3, "Wr3": Wr3, "br3": br3, "att3": att3, "b3": b3}


def _gatv2(x, src, dst, n, Wl, bl, Wr, br, att, b, H, C):
    # PyG GATv2Conv (eval mode, dropout inactive):
    # x_l = lin_l(x), x_r = lin_r(x); e = leaky_relu(x_l[src] + x_r[dst]);
    # alpha = softmax_over_dst((e * att).sum(-1)); out = scatter_add(alpha * x_l[src], dst)
    xl = (x @ Wl + bl).reshape(n, H, C)
    xr = (x @ Wr + br).reshape(n, H, C)
    e = jax.nn.leaky_relu(xl[src] + xr[dst], 0.2)
    alpha = jnp.sum(e * att[None, :, :], axis=-1)  # [E, H]
    amax = jax.ops.segment_max(alpha, dst, num_segments=n)
    amax = jnp.where(jnp.isfinite(amax), amax, 0.0)
    ex = jnp.exp(alpha - amax[dst])
    denom = jax.ops.segment_sum(ex, dst, num_segments=n)
    a = ex / (denom[dst] + 1e-16)
    out = jax.ops.segment_sum(xl[src] * a[:, :, None], dst, num_segments=n)
    return out.reshape(n, H * C) + b


def reference(x, edge_index, Wl1, bl1, Wr1, br1, att1, b1,
              Wl2, bl2, Wr2, br2, att2, b2,
              Wl3, bl3, Wr3, br3, att3, b3):
    n = x.shape[0]
    # add_self_loops=True (PyG default)
    loop = jnp.arange(n, dtype=edge_index.dtype)
    src = jnp.concatenate([edge_index[0], loop])
    dst = jnp.concatenate([edge_index[1], loop])
    h = jax.nn.relu(_gatv2(x, src, dst, n, Wl1, bl1, Wr1, br1, att1, b1, H1, C1))
    mu = _gatv2(h, src, dst, n, Wl2, bl2, Wr2, br2, att2, b2, 1, C_OUT)
    logvar = _gatv2(h, src, dst, n, Wl3, bl3, Wr3, br3, att3, b3, 1, C_OUT)
    return (mu, logvar)

if __name__ == "__main__":
    import jax
    _d = setup_inputs()
    print(jax.jit(kernel)(*tuple(_d.values())))

</pallas_src>

<mosaic_0001>
#map = affine_map<(d0, d1) -> (0)>
#map1 = affine_map<(d0, d1) -> (0, 0)>
#map2 = affine_map<(d0, d1) -> (0, 0, 0)>
module attributes {stable_mosaic.version = 14 : i64} {
  func.func @edge_kernel(%arg0: i32, %arg1: i32, %arg2: memref<320000xi32, #tpu.memory_space<hbm>>, %arg3: memref<320000xi32, #tpu.memory_space<hbm>>, %arg4: memref<10000x64xf32, #tpu.memory_space<hbm>>, %arg5: memref<10000x64xf32, #tpu.memory_space<hbm>>, %arg6: memref<64xf32, #tpu.memory_space<hbm>>, %arg7: memref<632x80xf32, #tpu.memory_space<hbm>>, %arg8: memref<2x10112x80xf32, #tpu.memory_space<hbm>>, %arg9: memref<80xi32, #tpu.memory_space<vmem>>, %arg10: memref<80xi32, #tpu.memory_space<vmem>>, %arg11: memref<80x64xf32, #tpu.memory_space<vmem>>, %arg12: memref<80x64xf32, #tpu.memory_space<vmem>>, %arg13: memref<80x80xf32, #tpu.memory_space<vmem>>, %arg14: memref<64xf32, #tpu.memory_space<vmem>>, %arg15: memref<10112x80xf32, #tpu.memory_space<vmem_shared>>, %arg16: memref<!tpu.dma_semaphore, #tpu.memory_space<semaphore_mem>>) attributes {dimension_semantics = [#tpu.dimension_semantics<core_parallel>, #tpu.dimension_semantics<subcore_parallel>], iteration_bounds = array<i64: 2, 16>, scalar_prefetch = 0 : i64, scratch_operands = 8 : i64, tpu.core_type = #tpu.core_type<sc_vector_subcore>, window_params = [{transform_indices = #map}, {transform_indices = #map}, {transform_indices = #map1}, {transform_indices = #map1}, {transform_indices = #map}, {transform_indices = #map1}, {transform_indices = #map2}]} {
    %mul3A = arith.constant 2 : i32
    %mul3A_0 = arith.muli %arg1, %mul3A : i32
    %add3A = arith.addi %mul3A_0, %arg0 : i32
    %mul3A_1 = arith.constant 632 : i32
    %mul3A_2 = arith.muli %arg1, %mul3A_1 : i32
    "tpu.region"() ({
      %run_scoped3A = tpu.sem_alloc : memref<!tpu.dma_semaphore, #tpu.memory_space<semaphore_mem>>
      %dma_start3A = arith.constant 0 : i32
      %dma_start3A_22 = tpu.memref_slice %arg15[%mul3A_2, %dma_start3A] : memref<10112x80xf32, #tpu.memory_space<vmem_shared>> -> memref<632x80xf32, #tpu.memory_space<vmem_shared>>
      tpu.enqueue_dma source(%arg7 : memref<632x80xf32, #tpu.memory_space<hbm>>) target(%dma_start3A_22 : memref<632x80xf32, #tpu.memory_space<vmem_shared>>) target_semaphore(%run_scoped3A : memref<!tpu.dma_semaphore, #tpu.memory_space<semaphore_mem>>)
      %dma_wait3A = arith.constant 0 : i32
      %dma_wait3A_23 = tpu.memref_slice %arg15[%mul3A_2, %dma_wait3A] : memref<10112x80xf32, #tpu.memory_space<vmem_shared>> -> memref<632x80xf32, #tpu.memory_space<vmem_shared>>
      tpu.wait_dma2 semaphore(%run_scoped3A : memref<!tpu.dma_semaphore, #tpu.memory_space<semaphore_mem>>) src(%arg7 : memref<632x80xf32, #tpu.memory_space<hbm>>) dst(%dma_wait3A_23 : memref<632x80xf32, #tpu.memory_space<vmem_shared>>)
      tpu.yield
    }) : () -> ()
    "tpu.region"() ({
      %run_scoped3A = tpu.sem_alloc : memref<!tpu.dma_semaphore, #tpu.memory_space<semaphore_mem>>
      tpu.enqueue_dma source(%arg6 : memref<64xf32, #tpu.memory_space<hbm>>) target(%arg14 : memref<64xf32, #tpu.memory_space<vmem>>) target_semaphore(%run_scoped3A : memref<!tpu.dma_semaphore, #tpu.memory_space<semaphore_mem>>)
      tpu.wait_dma2 semaphore(%run_scoped3A : memref<!tpu.dma_semaphore, #tpu.memory_space<semaphore_mem>>) src(%arg6 : memref<64xf32, #tpu.memory_space<hbm>>) dst(%arg14 : memref<64xf32, #tpu.memory_space<vmem>>)
      tpu.yield
    }) : () -> ()
    %barrier3A = arith.constant 0 : index
    tpu.barrier barrier_id(%barrier3A)
    %get3A = arith.constant 0 : index
    %get3A_3 = tpu.vector_load %arg14[%get3A] {strides = array<i32>} : memref<64xf32, #tpu.memory_space<vmem>>, vector<16xf32>,
    %get3A_4 = arith.constant 16 : index
    %get3A_5 = tpu.vector_load %arg14[%get3A_4] {strides = array<i32>} : memref<64xf32, #tpu.memory_space<vmem>>, vector<16xf32>,
    %get3A_6 = arith.constant 32 : index
    %get3A_7 = tpu.vector_load %arg14[%get3A_6] {strides = array<i32>} : memref<64xf32, #tpu.memory_space<vmem>>, vector<16xf32>,
    %get3A_8 = arith.constant 48 : index
    %get3A_9 = tpu.vector_load %arg14[%get3A_8] {strides = array<i32>} : memref<64xf32, #tpu.memory_space<vmem>>, vector<16xf32>,
    %iota3A = tpu.iota {dimensions = array<i32: 0>} : vector<16xi32>
    %mul3A_10 = arith.constant 10000 : i32
    %mul3A_11 = arith.muli %add3A, %mul3A_10 : i32
    %scan3A = arith.constant 0 : i32
    %scan3A_12 = arith.constant 0 : i32
    %scan3A_13 = arith.constant 125 : i32
    %scan3A_14 = arith.addi %scan3A_12, %scan3A_13 : i32
    %scan3A_15 = arith.constant 1 : i32
    scf.for %scan3A_22 = %scan3A_12 to %scan3A_14 step %scan3A_15  : i32 {
      %mul3A_23 = arith.constant 80 : i32
      %mul3A_24 = arith.muli %scan3A_22, %mul3A_23 : i32
      %add3A_25 = arith.addi %mul3A_11, %mul3A_24 : i32
      "tpu.region"() ({
        %run_scoped3A = tpu.sem_alloc : memref<!tpu.dma_semaphore, #tpu.memory_space<semaphore_mem>>
        %dma_start3A_42 = tpu.memref_slice %arg2[%add3A_25] : memref<320000xi32, #tpu.memory_space<hbm>> -> memref<80xi32, #tpu.memory_space<hbm>>
        %dma_start3A_43 = tpu.memref_slice %arg2[%add3A_25] : memref<320000xi32, #tpu.memory_space<hbm>> -> memref<80xi32, #tpu.memory_space<hbm>>
        tpu.enqueue_dma source(%dma_start3A_43 : memref<80xi32, #tpu.memory_space<hbm>>) target(%arg9 : memref<80xi32, #tpu.memory_space<vmem>>) target_semaphore(%run_scoped3A : memref<!tpu.dma_semaphore, #tpu.memory_space<semaphore_mem>>)
        %dma_wait3A_44 = tpu.memref_slice %arg2[%add3A_25] : memref<320000xi32, #tpu.memory_space<hbm>> -> memref<80xi32, #tpu.memory_space<hbm>>
        %dma_wait3A_45 = tpu.memref_slice %arg2[%add3A_25] : memref<320000xi32, #tpu.memory_space<hbm>> -> memref<80xi32, #tpu.memory_space<hbm>>
        tpu.wait_dma2 semaphore(%run_scoped3A : memref<!tpu.dma_semaphore, #tpu.memory_space<semaphore_mem>>) src(%dma_wait3A_45 : memref<80xi32, #tpu.memory_space<hbm>>) dst(%arg9 : memref<80xi32, #tpu.memory_space<vmem>>)
        tpu.yield
      }) : () -> ()
      "tpu.region"() ({
        %run_scoped3A = tpu.sem_alloc : memref<!tpu.dma_semaphore, #tpu.memory_space<semaphore_mem>>
        %dma_start3A_42 = tpu.memref_slice %arg3[%add3A_25] : memref<320000xi32, #tpu.memory_space<hbm>> -> memref<80xi32, #tpu.memory_space<hbm>>
        %dma_start3A_43 = tpu.memref_slice %arg3[%add3A_25] : memref<320000xi32, #tpu.memory_space<hbm>> -> memref<80xi32, #tpu.memory_space<hbm>>
        tpu.enqueue_dma source(%dma_start3A_43 : memref<80xi32, #tpu.memory_space<hbm>>) target(%arg10 : memref<80xi32, #tpu.memory_space<vmem>>) target_semaphore(%run_scoped3A : memref<!tpu.dma_semaphore, #tpu.memory_space<semaphore_mem>>)
        %dma_wait3A_44 = tpu.memref_slice %arg3[%add3A_25] : memref<320000xi32, #tpu.memory_space<hbm>> -> memref<80xi32, #tpu.memory_space<hbm>>
        %dma_wait3A_45 = tpu.memref_slice %arg3[%add3A_25] : memref<320000xi32, #tpu.memory_space<hbm>> -> memref<80xi32, #tpu.memory_space<hbm>>
        tpu.wait_dma2 semaphore(%run_scoped3A : memref<!tpu.dma_semaphore, #tpu.memory_space<semaphore_mem>>) src(%dma_wait3A_45 : memref<80xi32, #tpu.memory_space<hbm>>) dst(%arg10 : memref<80xi32, #tpu.memory_space<vmem>>)
        tpu.yield
      }) : () -> ()
      %dma_start3A = arith.constant 0 : i32
      %dma_start3A_26 = arith.constant 0 : i32
      %dma_start3A_27 = tpu.memref_slice %arg4[%dma_start3A, %dma_start3A_26] : memref<10000x64xf32, #tpu.memory_space<hbm>> -> memref<10000x64xf32, #tpu.memory_space<hbm>>
      tpu.enqueue_indirect_dma source(%dma_start3A_27 : memref<10000x64xf32, #tpu.memory_space<hbm>>) target(%arg11 : memref<80x64xf32, #tpu.memory_space<vmem>>) offsets(%arg9 : memref<80xi32, #tpu.memory_space<vmem>>) semaphore(%arg16 : memref<!tpu.dma_semaphore, #tpu.memory_space<semaphore_mem>>)
      %dma_start3A_28 = arith.constant 0 : i32
      %dma_start3A_29 = arith.constant 0 : i32
      %dma_start3A_30 = tpu.memref_slice %arg5[%dma_start3A_28, %dma_start3A_29] : memref<10000x64xf32, #tpu.memory_space<hbm>> -> memref<10000x64xf32, #tpu.memory_space<hbm>>
      tpu.enqueue_indirect_dma source(%dma_start3A_30 : memref<10000x64xf32, #tpu.memory_space<hbm>>) target(%arg12 : memref<80x64xf32, #tpu.memory_space<vmem>>) offsets(%arg10 : memref<80xi32, #tpu.memory_space<vmem>>) semaphore(%arg16 : memref<!tpu.dma_semaphore, #tpu.memory_space<semaphore_mem>>)
      %dma_wait3A = arith.constant 0 : i32
      %dma_wait3A_31 = arith.constant 0 : i32
      %dma_wait3A_32 = tpu.memref_slice %arg4[%dma_wait3A, %dma_wait3A_31] : memref<10000x64xf32, #tpu.memory_space<hbm>> -> memref<10000x64xf32, #tpu.memory_space<hbm>>
      tpu.wait_indirect_dma semaphore(%arg16 : memref<!tpu.dma_semaphore, #tpu.memory_space<semaphore_mem>>) src(%dma_wait3A_32 : memref<10000x64xf32, #tpu.memory_space<hbm>>) dst(%arg11 : memref<80x64xf32, #tpu.memory_space<vmem>>)
      %dma_wait3A_33 = arith.constant 0 : i32
      %dma_wait3A_34 = arith.constant 0 : i32
      %dma_wait3A_35 = tpu.memref_slice %arg5[%dma_wait3A_33, %dma_wait3A_34] : memref<10000x64xf32, #tpu.memory_space<hbm>> -> memref<10000x64xf32, #tpu.memory_space<hbm>>
      tpu.wait_indirect_dma semaphore(%arg16 : memref<!tpu.dma_semaphore, #tpu.memory_space<semaphore_mem>>) src(%dma_wait3A_35 : memref<10000x64xf32, #tpu.memory_space<hbm>>) dst(%arg12 : memref<80x64xf32, #tpu.memory_space<vmem>>)
      %scan3A_36 = arith.constant 0 : i32
      %scan3A_37 = arith.constant 0 : i32
      %scan3A_38 = arith.constant 80 : i32
      %scan3A_39 = arith.addi %scan3A_37, %scan3A_38 : i32
      %scan3A_40 = arith.constant 2 : i32
      scf.for %scan3A_42 = %scan3A_37 to %scan3A_39 step %scan3A_40  : i32 {
        %broadcast_in_dim3A = arith.constant 0.000000e+00 : f32
        %broadcast_in_dim3A_43 = vector.broadcast %broadcast_in_dim3A : f32 to vector<16xf32>
        %get3A_44 = arith.index_cast %scan3A_42 : i32 to index
        %get3A_45 = arith.constant 0 : index
        %get3A_46 = tpu.vector_load %arg11[%get3A_44, %get3A_45] {strides = array<i32>} : memref<80x64xf32, #tpu.memory_space<vmem>>, vector<16xf32>,
        %get3A_47 = arith.index_cast %scan3A_42 : i32 to index
        %get3A_48 = arith.constant 0 : index
        %get3A_49 = tpu.vector_load %arg12[%get3A_47, %get3A_48] {strides = array<i32>} : memref<80x64xf32, #tpu.memory_space<vmem>>, vector<16xf32>,
        %add3A_50 = arith.addf %get3A_46, %get3A_49 : vector<16xf32>
        %mul3A_51 = arith.constant 2.000000e-01 : f32
        %mul3A_52 = vector.broadcast %mul3A_51 : f32 to vector<16xf32>
        %mul3A_53 = arith.mulf %mul3A_52, %add3A_50 : vector<16xf32>
        %max3A = arith.maximumf %add3A_50, %mul3A_53 : vector<16xf32>
        %mul3A_54 = arith.mulf %max3A, %get3A_3 : vector<16xf32>
        %reduce_sum3A = arith.constant true
        %reduce_sum3A_55 = vector.broadcast %reduce_sum3A : i1 to vector<16xi1>
        %reduce_sum3A_56 = tpu.scan <sum>, %mul3A_54 masked %reduce_sum3A_55 : vector<16xf32>, vector<16xi1> -> vector<16xf32>
        %reduce_sum3A_57 = vector.extract %reduce_sum3A_56[15] : f32 from vector<16xf32>
        %broadcast_in_dim3A_58 = vector.broadcast %reduce_sum3A_57 : f32 to vector<16xf32>
        %exp3A = math.exp %broadcast_in_dim3A_58 : vector<16xf32>
        %mul3A_59 = arith.mulf %exp3A, %get3A_46 : vector<16xf32>
        %swap3A = arith.index_cast %scan3A_42 : i32 to index
        %swap3A_60 = arith.constant 0 : index
        %swap3A_61 = tpu.vector_load %arg13[%swap3A, %swap3A_60] {strides = array<i32>} : memref<80x80xf32, #tpu.memory_space<vmem>>, vector<16xf32>,
        tpu.vector_store %arg13[%swap3A, %swap3A_60], %mul3A_59 {strides = array<i32>} : memref<80x80xf32, #tpu.memory_space<vmem>>, vector<16xf32>,
        %eq3A = arith.constant 0 : i32
        %eq3A_62 = vector.broadcast %eq3A : i32 to vector<16xi32>
        %eq3A_63 = arith.cmpi eq, %iota3A, %eq3A_62 : vector<16xi32>
        %select_n3A = arith.select %eq3A_63, %exp3A, %broadcast_in_dim3A_43 : vector<16xi1>, vector<16xf32>
        %get3A_64 = arith.index_cast %scan3A_42 : i32 to index
        %get3A_65 = arith.constant 16 : index
        %get3A_66 = tpu.vector_load %arg11[%get3A_64, %get3A_65] {strides = array<i32>} : memref<80x64xf32, #tpu.memory_space<vmem>>, vector<16xf32>,
        %get3A_67 = arith.index_cast %scan3A_42 : i32 to index
        %get3A_68 = arith.constant 16 : index
        %get3A_69 = tpu.vector_load %arg12[%get3A_67, %get3A_68] {strides = array<i32>} : memref<80x64xf32, #tpu.memory_space<vmem>>, vector<16xf32>,
        %add3A_70 = arith.addf %get3A_66, %get3A_69 : vector<16xf32>
        %mul3A_71 = arith.constant 2.000000e-01 : f32
        %mul3A_72 = vector.broadcast %mul3A_71 : f32 to vector<16xf32>
        %mul3A_73 = arith.mulf %mul3A_72, %add3A_70 : vector<16xf32>
        %max3A_74 = arith.maximumf %add3A_70, %mul3A_73 : vector<16xf32>
        %mul3A_75 = arith.mulf %max3A_74, %get3A_5 : vector<16xf32>
        %reduce_sum3A_76 = arith.constant true
        %reduce_sum3A_77 = vector.broadcast %reduce_sum3A_76 : i1 to vector<16xi1>
        %reduce_sum3A_78 = tpu.scan <sum>, %mul3A_75 masked %reduce_sum3A_77 : vector<16xf32>, vector<16xi1> -> vector<16xf32>
        %reduce_sum3A_79 = vector.extract %reduce_sum3A_78[15] : f32 from vector<16xf32>
        %broadcast_in_dim3A_80 = vector.broadcast %reduce_sum3A_79 : f32 to vector<16xf32>
        %exp3A_81 = math.exp %broadcast_in_dim3A_80 : vector<16xf32>
        %mul3A_82 = arith.mulf %exp3A_81, %get3A_66 : vector<16xf32>
        %swap3A_83 = arith.index_cast %scan3A_42 : i32 to index
        %swap3A_84 = arith.constant 16 : index
        %swap3A_85 = tpu.vector_load %arg13[%swap3A_83, %swap3A_84] {strides = array<i32>} : memref<80x80xf32, #tpu.memory_space<vmem>>, vector<16xf32>,
        tpu.vector_store %arg13[%swap3A_83, %swap3A_84], %mul3A_82 {strides = array<i32>} : memref<80x80xf32, #tpu.memory_space<vmem>>, vector<16xf32>,
        %eq3A_86 = arith.constant 1 : i32
        %eq3A_87 = vector.broadcast %eq3A_86 : i32 to vector<16xi32>
        %eq3A_88 = arith.cmpi eq, %iota3A, %eq3A_87 : vector<16xi32>
        %select_n3A_89 = arith.select %eq3A_88, %exp3A_81, %select_n3A : vector<16xi1>, vector<16xf32>
        %get3A_90 = arith.index_cast %scan3A_42 : i32 to index
        %get3A_91 = arith.constant 32 : index
        %get3A_92 = tpu.vector_load %arg11[%get3A_90, %get3A_91] {strides = array<i32>} : memref<80x64xf32, #tpu.memory_space<vmem>>, vector<16xf32>,
        %get3A_93 = arith.index_cast %scan3A_42 : i32 to index
        %get3A_94 = arith.constant 32 : index
        %get3A_95 = tpu.vector_load %arg12[%get3A_93, %get3A_94] {strides = array<i32>} : memref<80x64xf32, #tpu.memory_space<vmem>>, vector<16xf32>,
        %add3A_96 = arith.addf %get3A_92, %get3A_95 : vector<16xf32>
        %mul3A_97 = arith.constant 2.000000e-01 : f32
        %mul3A_98 = vector.broadcast %mul3A_97 : f32 to vector<16xf32>
        %mul3A_99 = arith.mulf %mul3A_98, %add3A_96 : vector<16xf32>
        %max3A_100 = arith.maximumf %add3A_96, %mul3A_99 : vector<16xf32>
        %mul3A_101 = arith.mulf %max3A_100, %get3A_7 : vector<16xf32>
        %reduce_sum3A_102 = arith.constant true
        %reduce_sum3A_103 = vector.broadcast %reduce_sum3A_102 : i1 to vector<16xi1>
        %reduce_sum3A_104 = tpu.scan <sum>, %mul3A_101 masked %reduce_sum3A_103 : vector<16xf32>, vector<16xi1> -> vector<16xf32>
        %reduce_sum3A_105 = vector.extract %reduce_sum3A_104[15] : f32 from vector<16xf32>
        %broadcast_in_dim3A_106 = vector.broadcast %reduce_sum3A_105 : f32 to vector<16xf32>
        %exp3A_107 = math.exp %broadcast_in_dim3A_106 : vector<16xf32>
        %mul3A_108 = arith.mulf %exp3A_107, %get3A_92 : vector<16xf32>
        %swap3A_109 = arith.index_cast %scan3A_42 : i32 to index
        %swap3A_110 = arith.constant 32 : index
        %swap3A_111 = tpu.vector_load %arg13[%swap3A_109, %swap3A_110] {strides = array<i32>} : memref<80x80xf32, #tpu.memory_space<vmem>>, vector<16xf32>,
        tpu.vector_store %arg13[%swap3A_109, %swap3A_110], %mul3A_108 {strides = array<i32>} : memref<80x80xf32, #tpu.memory_space<vmem>>, vector<16xf32>,
        %eq3A_112 = arith.constant 2 : i32
        %eq3A_113 = vector.broadcast %eq3A_112 : i32 to vector<16xi32>
        %eq3A_114 = arith.cmpi eq, %iota3A, %eq3A_113 : vector<16xi32>
        %select_n3A_115 = arith.select %eq3A_114, %exp3A_107, %select_n3A_89 : vector<16xi1>, vector<16xf32>
        %get3A_116 = arith.index_cast %scan3A_42 : i32 to index
        %get3A_117 = arith.constant 48 : index
        %get3A_118 = tpu.vector_load %arg11[%get3A_116, %get3A_117] {strides = array<i32>} : memref<80x64xf32, #tpu.memory_space<vmem>>, vector<16xf32>,
        %get3A_119 = arith.index_cast %scan3A_42 : i32 to index
        %get3A_120 = arith.constant 48 : index
        %get3A_121 = tpu.vector_load %arg12[%get3A_119, %get3A_120] {strides = array<i32>} : memref<80x64xf32, #tpu.memory_space<vmem>>, vector<16xf32>,
        %add3A_122 = arith.addf %get3A_118, %get3A_121 : vector<16xf32>
        %mul3A_123 = arith.constant 2.000000e-01 : f32
        %mul3A_124 = vector.broadcast %mul3A_123 : f32 to vector<16xf32>
        %mul3A_125 = arith.mulf %mul3A_124, %add3A_122 : vector<16xf32>
        %max3A_126 = arith.maximumf %add3A_122, %mul3A_125 : vector<16xf32>
        %mul3A_127 = arith.mulf %max3A_126, %get3A_9 : vector<16xf32>
        %reduce_sum3A_128 = arith.constant true
        %reduce_sum3A_129 = vector.broadcast %reduce_sum3A_128 : i1 to vector<16xi1>
        %reduce_sum3A_130 = tpu.scan <sum>, %mul3A_127 masked %reduce_sum3A_129 : vector<16xf32>, vector<16xi1> -> vector<16xf32>
        %reduce_sum3A_131 = vector.extract %reduce_sum3A_130[15] : f32 from vector<16xf32>
        %broadcast_in_dim3A_132 = vector.broadcast %reduce_sum3A_131 : f32 to vector<16xf32>
        %exp3A_133 = math.exp %broadcast_in_dim3A_132 : vector<16xf32>
        %mul3A_134 = arith.mulf %exp3A_133, %get3A_118 : vector<16xf32>
        %swap3A_135 = arith.index_cast %scan3A_42 : i32 to index
        %swap3A_136 = arith.constant 48 : index
        %swap3A_137 = tpu.vector_load %arg13[%swap3A_135, %swap3A_136] {strides = array<i32>} : memref<80x80xf32, #tpu.memory_space<vmem>>, vector<16xf32>,
        tpu.vector_store %arg13[%swap3A_135, %swap3A_136], %mul3A_134 {strides = array<i32>} : memref<80x80xf32, #tpu.memory_space<vmem>>, vector<16xf32>,
        %eq3A_138 = arith.constant 3 : i32
        %eq3A_139 = vector.broadcast %eq3A_138 : i32 to vector<16xi32>
        %eq3A_140 = arith.cmpi eq, %iota3A, %eq3A_139 : vector<16xi32>
        %select_n3A_141 = arith.select %eq3A_140, %exp3A_133, %select_n3A_115 : vector<16xi1>, vector<16xf32>
        %swap3A_142 = arith.index_cast %scan3A_42 : i32 to index
        %swap3A_143 = arith.constant 64 : index
        %swap3A_144 = tpu.vector_load %arg13[%swap3A_142, %swap3A_143] {strides = array<i32>} : memref<80x80xf32, #tpu.memory_space<vmem>>, vector<16xf32>,
        tpu.vector_store %arg13[%swap3A_142, %swap3A_143], %select_n3A_141 {strides = array<i32>} : memref<80x80xf32, #tpu.memory_space<vmem>>, vector<16xf32>,
        %scan3A_145 = arith.constant 1 : i32
        %scan3A_146 = arith.addi %scan3A_42, %scan3A_145 : i32
        %broadcast_in_dim3A_147 = arith.constant 0.000000e+00 : f32
        %broadcast_in_dim3A_148 = vector.broadcast %broadcast_in_dim3A_147 : f32 to vector<16xf32>
        %get3A_149 = arith.index_cast %scan3A_146 : i32 to index
        %get3A_150 = arith.constant 0 : index
        %get3A_151 = tpu.vector_load %arg11[%get3A_149, %get3A_150] {strides = array<i32>} : memref<80x64xf32, #tpu.memory_space<vmem>>, vector<16xf32>,
        %get3A_152 = arith.index_cast %scan3A_146 : i32 to index
        %get3A_153 = arith.constant 0 : index
        %get3A_154 = tpu.vector_load %arg12[%get3A_152, %get3A_153] {strides = array<i32>} : memref<80x64xf32, #tpu.memory_space<vmem>>, vector<16xf32>,
        %add3A_155 = arith.addf %get3A_151, %get3A_154 : vector<16xf32>
        %mul3A_156 = arith.constant 2.000000e-01 : f32
        %mul3A_157 = vector.broadcast %mul3A_156 : f32 to vector<16xf32>
        %mul3A_158 = arith.mulf %mul3A_157, %add3A_155 : vector<16xf32>
        %max3A_159 = arith.maximumf %add3A_155, %mul3A_158 : vector<16xf32>
        %mul3A_160 = arith.mulf %max3A_159, %get3A_3 : vector<16xf32>
        %reduce_sum3A_161 = arith.constant true
        %reduce_sum3A_162 = vector.broadcast %reduce_sum3A_161 : i1 to vector<16xi1>
        %reduce_sum3A_163 = tpu.scan <sum>, %mul3A_160 masked %reduce_sum3A_162 : vector<16xf32>, vector<16xi1> -> vector<16xf32>
        %reduce_sum3A_164 = vector.extract %reduce_sum3A_163[15] : f32 from vector<16xf32>
        %broadcast_in_dim3A_165 = vector.broadcast %reduce_sum3A_164 : f32 to vector<16xf32>
        %exp3A_166 = math.exp %broadcast_in_dim3A_165 : vector<16xf32>
        %mul3A_167 = arith.mulf %exp3A_166, %get3A_151 : vector<16xf32>
        %swap3A_168 = arith.index_cast %scan3A_146 : i32 to index
        %swap3A_169 = arith.constant 0 : index
        %swap3A_170 = tpu.vector_load %arg13[%swap3A_168, %swap3A_169] {strides = array<i32>} : memref<80x80xf32, #tpu.memory_space<vmem>>, vector<16xf32>,
        tpu.vector_store %arg13[%swap3A_168, %swap3A_169], %mul3A_167 {strides = array<i32>} : memref<80x80xf32, #tpu.memory_space<vmem>>, vector<16xf32>,
        %eq3A_171 = arith.constant 0 : i32
        %eq3A_172 = vector.broadcast %eq3A_171 : i32 to vector<16xi32>
        %eq3A_173 = arith.cmpi eq, %iota3A, %eq3A_172 : vector<16xi32>
        %select_n3A_174 = arith.select %eq3A_173, %exp3A_166, %broadcast_in_dim3A_148 : vector<16xi1>, vector<16xf32>
        %get3A_175 = arith.index_cast %scan3A_146 : i32 to index
        %get3A_176 = arith.constant 16 : index
        %get3A_177 = tpu.vector_load %arg11[%get3A_175, %get3A_176] {strides = array<i32>} : memref<80x64xf32, #tpu.memory_space<vmem>>, vector<16xf32>,
        %get3A_178 = arith.index_cast %scan3A_146 : i32 to index
        %get3A_179 = arith.constant 16 : index
        %get3A_180 = tpu.vector_load %arg12[%get3A_178, %get3A_179] {strides = array<i32>} : memref<80x64xf32, #tpu.memory_space<vmem>>, vector<16xf32>,
        %add3A_181 = arith.addf %get3A_177, %get3A_180 : vector<16xf32>
        %mul3A_182 = arith.constant 2.000000e-01 : f32
        %mul3A_183 = vector.broadcast %mul3A_182 : f32 to vector<16xf32>
        %mul3A_184 = arith.mulf %mul3A_183, %add3A_181 : vector<16xf32>
        %max3A_185 = arith.maximumf %add3A_181, %mul3A_184 : vector<16xf32>
        %mul3A_186 = arith.mulf %max3A_185, %get3A_5 : vector<16xf32>
        %reduce_sum3A_187 = arith.constant true
        %reduce_sum3A_188 = vector.broadcast %reduce_sum3A_187 : i1 to vector<16xi1>
        %reduce_sum3A_189 = tpu.scan <sum>, %mul3A_186 masked %reduce_sum3A_188 : vector<16xf32>, vector<16xi1> -> vector<16xf32>
        %reduce_sum3A_190 = vector.extract %reduce_sum3A_189[15] : f32 from vector<16xf32>
        %broadcast_in_dim3A_191 = vector.broadcast %reduce_sum3A_190 : f32 to vector<16xf32>
        %exp3A_192 = math.exp %broadcast_in_dim3A_191 : vector<16xf32>
        %mul3A_193 = arith.mulf %exp3A_192, %get3A_177 : vector<16xf32>
        %swap3A_194 = arith.index_cast %scan3A_146 : i32 to index
        %swap3A_195 = arith.constant 16 : index
        %swap3A_196 = tpu.vector_load %arg13[%swap3A_194, %swap3A_195] {strides = array<i32>} : memref<80x80xf32, #tpu.memory_space<vmem>>, vector<16xf32>,
        tpu.vector_store %arg13[%swap3A_194, %swap3A_195], %mul3A_193 {strides = array<i32>} : memref<80x80xf32, #tpu.memory_space<vmem>>, vector<16xf32>,
        %eq3A_197 = arith.constant 1 : i32
        %eq3A_198 = vector.broadcast %eq3A_197 : i32 to vector<16xi32>
        %eq3A_199 = arith.cmpi eq, %iota3A, %eq3A_198 : vector<16xi32>
        %select_n3A_200 = arith.select %eq3A_199, %exp3A_192, %select_n3A_174 : vector<16xi1>, vector<16xf32>
        %get3A_201 = arith.index_cast %scan3A_146 : i32 to index
        %get3A_202 = arith.constant 32 : index
        %get3A_203 = tpu.vector_load %arg11[%get3A_201, %get3A_202] {strides = array<i32>} : memref<80x64xf32, #tpu.memory_space<vmem>>, vector<16xf32>,
        %get3A_204 = arith.index_cast %scan3A_146 : i32 to index
        %get3A_205 = arith.constant 32 : index
        %get3A_206 = tpu.vector_load %arg12[%get3A_204, %get3A_205] {strides = array<i32>} : memref<80x64xf32, #tpu.memory_space<vmem>>, vector<16xf32>,
        %add3A_207 = arith.addf %get3A_203, %get3A_206 : vector<16xf32>
        %mul3A_208 = arith.constant 2.000000e-01 : f32
        %mul3A_209 = vector.broadcast %mul3A_208 : f32 to vector<16xf32>
        %mul3A_210 = arith.mulf %mul3A_209, %add3A_207 : vector<16xf32>
        %max3A_211 = arith.maximumf %add3A_207, %mul3A_210 : vector<16xf32>
        %mul3A_212 = arith.mulf %max3A_211, %get3A_7 : vector<16xf32>
        %reduce_sum3A_213 = arith.constant true
        %reduce_sum3A_214 = vector.broadcast %reduce_sum3A_213 : i1 to vector<16xi1>
        %reduce_sum3A_215 = tpu.scan <sum>, %mul3A_212 masked %reduce_sum3A_214 : vector<16xf32>, vector<16xi1> -> vector<16xf32>
        %reduce_sum3A_216 = vector.extract %reduce_sum3A_215[15] : f32 from vector<16xf32>
        %broadcast_in_dim3A_217 = vector.broadcast %reduce_sum3A_216 : f32 to vector<16xf32>
        %exp3A_218 = math.exp %broadcast_in_dim3A_217 : vector<16xf32>
        %mul3A_219 = arith.mulf %exp3A_218, %get3A_203 : vector<16xf32>
        %swap3A_220 = arith.index_cast %scan3A_146 : i32 to index
        %swap3A_221 = arith.constant 32 : index
        %swap3A_222 = tpu.vector_load %arg13[%swap3A_220, %swap3A_221] {strides = array<i32>} : memref<80x80xf32, #tpu.memory_space<vmem>>, vector<16xf32>,
        tpu.vector_store %arg13[%swap3A_220, %swap3A_221], %mul3A_219 {strides = array<i32>} : memref<80x80xf32, #tpu.memory_space<vmem>>, vector<16xf32>,
        %eq3A_223 = arith.constant 2 : i32
        %eq3A_224 = vector.broadcast %eq3A_223 : i32 to vector<16xi32>
        %eq3A_225 = arith.cmpi eq, %iota3A, %eq3A_224 : vector<16xi32>
        %select_n3A_226 = arith.select %eq3A_225, %exp3A_218, %select_n3A_200 : vector<16xi1>, vector<16xf32>
        %get3A_227 = arith.index_cast %scan3A_146 : i32 to index
        %get3A_228 = arith.constant 48 : index
        %get3A_229 = tpu.vector_load %arg11[%get3A_227, %get3A_228] {strides = array<i32>} : memref<80x64xf32, #tpu.memory_space<vmem>>, vector<16xf32>,
        %get3A_230 = arith.index_cast %scan3A_146 : i32 to index
        %get3A_231 = arith.constant 48 : index
        %get3A_232 = tpu.vector_load %arg12[%get3A_230, %get3A_231] {strides = array<i32>} : memref<80x64xf32, #tpu.memory_space<vmem>>, vector<16xf32>,
        %add3A_233 = arith.addf %get3A_229, %get3A_232 : vector<16xf32>
        %mul3A_234 = arith.constant 2.000000e-01 : f32
        %mul3A_235 = vector.broadcast %mul3A_234 : f32 to vector<16xf32>
        %mul3A_236 = arith.mulf %mul3A_235, %add3A_233 : vector<16xf32>
        %max3A_237 = arith.maximumf %add3A_233, %mul3A_236 : vector<16xf32>
        %mul3A_238 = arith.mulf %max3A_237, %get3A_9 : vector<16xf32>
        %reduce_sum3A_239 = arith.constant true
        %reduce_sum3A_240 = vector.broadcast %reduce_sum3A_239 : i1 to vector<16xi1>
        %reduce_sum3A_241 = tpu.scan <sum>, %mul3A_238 masked %reduce_sum3A_240 : vector<16xf32>, vector<16xi1> -> vector<16xf32>
        %reduce_sum3A_242 = vector.extract %reduce_sum3A_241[15] : f32 from vector<16xf32>
        %broadcast_in_dim3A_243 = vector.broadcast %reduce_sum3A_242 : f32 to vector<16xf32>
        %exp3A_244 = math.exp %broadcast_in_dim3A_243 : vector<16xf32>
        %mul3A_245 = arith.mulf %exp3A_244, %get3A_229 : vector<16xf32>
        %swap3A_246 = arith.index_cast %scan3A_146 : i32 to index
        %swap3A_247 = arith.constant 48 : index
        %swap3A_248 = tpu.vector_load %arg13[%swap3A_246, %swap3A_247] {strides = array<i32>} : memref<80x80xf32, #tpu.memory_space<vmem>>, vector<16xf32>,
        tpu.vector_store %arg13[%swap3A_246, %swap3A_247], %mul3A_245 {strides = array<i32>} : memref<80x80xf32, #tpu.memory_space<vmem>>, vector<16xf32>,
        %eq3A_249 = arith.constant 3 : i32
        %eq3A_250 = vector.broadcast %eq3A_249 : i32 to vector<16xi32>
        %eq3A_251 = arith.cmpi eq, %iota3A, %eq3A_250 : vector<16xi32>
        %select_n3A_252 = arith.select %eq3A_251, %exp3A_244, %select_n3A_226 : vector<16xi1>, vector<16xf32>
        %swap3A_253 = arith.index_cast %scan3A_146 : i32 to index
        %swap3A_254 = arith.constant 64 : index
        %swap3A_255 = tpu.vector_load %arg13[%swap3A_253, %swap3A_254] {strides = array<i32>} : memref<80x80xf32, #tpu.memory_space<vmem>>, vector<16xf32>,
        tpu.vector_store %arg13[%swap3A_253, %swap3A_254], %select_n3A_252 {strides = array<i32>} : memref<80x80xf32, #tpu.memory_space<vmem>>, vector<16xf32>,
      }
      %scan3A_41 = arith.constant 80 : i32
      "tpu.region"() ({
        %run_scoped3A = tpu.sem_alloc : memref<!tpu.dma_semaphore, #tpu.memory_space<semaphore_mem>>
        %dma_start3A_42 = arith.constant 0 : i32
        %dma_start3A_43 = arith.constant 0 : i32
        %dma_start3A_44 = tpu.memref_slice %arg15[%dma_start3A_42, %dma_start3A_43] : memref<10112x80xf32, #tpu.memory_space<vmem_shared>> -> memref<10112x80xf32, #tpu.memory_space<vmem_shared>>
        tpu.enqueue_indirect_dma source(%arg13 : memref<80x80xf32, #tpu.memory_space<vmem>>) target(%dma_start3A_44 : memref<10112x80xf32, #tpu.memory_space<vmem_shared>>) offsets(%arg10 : memref<80xi32, #tpu.memory_space<vmem>>) semaphore(%run_scoped3A : memref<!tpu.dma_semaphore, #tpu.memory_space<semaphore_mem>>) {add = true}
        %dma_wait3A_45 = arith.constant 0 : i32
        %dma_wait3A_46 = arith.constant 0 : i32
        %dma_wait3A_47 = tpu.memref_slice %arg15[%dma_wait3A_45, %dma_wait3A_46] : memref<10112x80xf32, #tpu.memory_space<vmem_shared>> -> memref<10112x80xf32, #tpu.memory_space<vmem_shared>>
        tpu.wait_indirect_dma semaphore(%run_scoped3A : memref<!tpu.dma_semaphore, #tpu.memory_space<semaphore_mem>>) src(%arg13 : memref<80x80xf32, #tpu.memory_space<vmem>>) dst(%dma_wait3A_47 : memref<10112x80xf32, #tpu.memory_space<vmem_shared>>)
        tpu.yield
      }) : () -> ()
    }
    %scan3A_16 = arith.constant 125 : i32
    %barrier3A_17 = arith.constant 0 : index
    tpu.barrier barrier_id(%barrier3A_17)
    %mul3A_18 = arith.constant 632 : i32
    %mul3A_19 = arith.muli %arg1, %mul3A_18 : i32
    %mul3A_20 = arith.constant 632 : i32
    %mul3A_21 = arith.muli %arg1, %mul3A_20 : i32
    "tpu.region"() ({
      %run_scoped3A = tpu.sem_alloc : memref<!tpu.dma_semaphore, #tpu.memory_space<semaphore_mem>>
      %dma_start3A = arith.constant 0 : i32
      %dma_start3A_22 = tpu.memref_slice %arg8[%arg0, %mul3A_21, %dma_start3A] : memref<2x10112x80xf32, #tpu.memory_space<hbm>> -> memref<1x632x80xf32, #tpu.memory_space<hbm>>
      %dma_start3A_23 = tpu.memref_squeeze %dma_start3A_22 : memref<1x632x80xf32, #tpu.memory_space<hbm>> -> memref<632x80xf32, #tpu.memory_space<hbm>>
      %dma_start3A_24 = arith.constant 0 : i32
      %dma_start3A_25 = tpu.memref_slice %arg15[%mul3A_19, %dma_start3A_24] : memref<10112x80xf32, #tpu.memory_space<vmem_shared>> -> memref<632x80xf32, #tpu.memory_space<vmem_shared>>
      tpu.enqueue_dma source(%dma_start3A_25 : memref<632x80xf32, #tpu.memory_space<vmem_shared>>) target(%dma_start3A_23 : memref<632x80xf32, #tpu.memory_space<hbm>>) target_semaphore(%run_scoped3A : memref<!tpu.dma_semaphore, #tpu.memory_space<semaphore_mem>>)
      %dma_wait3A = arith.constant 0 : i32
      %dma_wait3A_26 = tpu.memref_slice %arg8[%arg0, %mul3A_21, %dma_wait3A] : memref<2x10112x80xf32, #tpu.memory_space<hbm>> -> memref<1x632x80xf32, #tpu.memory_space<hbm>>
      %dma_wait3A_27 = tpu.memref_squeeze %dma_wait3A_26 : memref<1x632x80xf32, #tpu.memory_space<hbm>> -> memref<632x80xf32, #tpu.memory_space<hbm>>
      %dma_wait3A_28 = arith.constant 0 : i32
      %dma_wait3A_29 = tpu.memref_slice %arg15[%mul3A_19, %dma_wait3A_28] : memref<10112x80xf32, #tpu.memory_space<vmem_shared>> -> memref<632x80xf32, #tpu.memory_space<vmem_shared>>
      tpu.wait_dma2 semaphore(%run_scoped3A : memref<!tpu.dma_semaphore, #tpu.memory_space<semaphore_mem>>) src(%dma_wait3A_29 : memref<632x80xf32, #tpu.memory_space<vmem_shared>>) dst(%dma_wait3A_27 : memref<632x80xf32, #tpu.memory_space<hbm>>)
      tpu.yield
    }) : () -> ()
    return
  }
}

#map = affine_map<(d0, d1) -> (0)>
#map1 = affine_map<(d0, d1) -> (0, 0)>
#map2 = affine_map<(d0, d1) -> (0, 0, 0)>
module attributes {stable_mosaic.version = 14 : i64} {
  func.func @edge_kernel(%arg0: i32, %arg1: i32, %arg2: memref<320000xi32, #tpu.memory_space<hbm>>, %arg3: memref<320000xi32, #tpu.memory_space<hbm>>, %arg4: memref<10000x64xf32, #tpu.memory_space<hbm>>, %arg5: memref<10000x64xf32, #tpu.memory_space<hbm>>, %arg6: memref<64xf32, #tpu.memory_space<hbm>>, %arg7: memref<632x80xf32, #tpu.memory_space<hbm>>, %arg8: memref<2x10112x80xf32, #tpu.memory_space<hbm>>, %arg9: memref<80xi32, #tpu.memory_space<vmem>>, %arg10: memref<80xi32, #tpu.memory_space<vmem>>, %arg11: memref<80x64xf32, #tpu.memory_space<vmem>>, %arg12: memref<80x64xf32, #tpu.memory_space<vmem>>, %arg13: memref<80x80xf32, #tpu.memory_space<vmem>>, %arg14: memref<64xf32, #tpu.memory_space<vmem>>, %arg15: memref<10112x80xf32, #tpu.memory_space<vmem_shared>>, %arg16: memref<!tpu.dma_semaphore, #tpu.memory_space<semaphore_mem>>) attributes {dimension_semantics = [#tpu.dimension_semantics<core_parallel>, #tpu.dimension_semantics<subcore_parallel>], iteration_bounds = array<i64: 2, 16>, scalar_prefetch = 0 : i64, scratch_operands = 8 : i64, tpu.core_type = #tpu.core_type<sc_vector_subcore>, window_params = [{transform_indices = #map}, {transform_indices = #map}, {transform_indices = #map1}, {transform_indices = #map1}, {transform_indices = #map}, {transform_indices = #map1}, {transform_indices = #map2}]} {
    %mul3A = arith.constant 2 : i32
    %mul3A_0 = arith.muli %arg1, %mul3A : i32
    %add3A = arith.addi %mul3A_0, %arg0 : i32
    %mul3A_1 = arith.constant 632 : i32
    %mul3A_2 = arith.muli %arg1, %mul3A_1 : i32
    "tpu.region"() ({
      %run_scoped3A = tpu.sem_alloc : memref<!tpu.dma_semaphore, #tpu.memory_space<semaphore_mem>>
      %dma_start3A = arith.constant 0 : i32
      %dma_start3A_22 = tpu.memref_slice %arg15[%mul3A_2, %dma_start3A] : memref<10112x80xf32, #tpu.memory_space<vmem_shared>> -> memref<632x80xf32, #tpu.memory_space<vmem_shared>>
      tpu.enqueue_dma source(%arg7 : memref<632x80xf32, #tpu.memory_space<hbm>>) target(%dma_start3A_22 : memref<632x80xf32, #tpu.memory_space<vmem_shared>>) target_semaphore(%run_scoped3A : memref<!tpu.dma_semaphore, #tpu.memory_space<semaphore_mem>>)
      %dma_wait3A = arith.constant 0 : i32
      %dma_wait3A_23 = tpu.memref_slice %arg15[%mul3A_2, %dma_wait3A] : memref<10112x80xf32, #tpu.memory_space<vmem_shared>> -> memref<632x80xf32, #tpu.memory_space<vmem_shared>>
      tpu.wait_dma2 semaphore(%run_scoped3A : memref<!tpu.dma_semaphore, #tpu.memory_space<semaphore_mem>>) src(%arg7 : memref<632x80xf32, #tpu.memory_space<hbm>>) dst(%dma_wait3A_23 : memref<632x80xf32, #tpu.memory_space<vmem_shared>>)
      tpu.yield
    }) : () -> ()
    "tpu.region"() ({
      %run_scoped3A = tpu.sem_alloc : memref<!tpu.dma_semaphore, #tpu.memory_space<semaphore_mem>>
      tpu.enqueue_dma source(%arg6 : memref<64xf32, #tpu.memory_space<hbm>>) target(%arg14 : memref<64xf32, #tpu.memory_space<vmem>>) target_semaphore(%run_scoped3A : memref<!tpu.dma_semaphore, #tpu.memory_space<semaphore_mem>>)
      tpu.wait_dma2 semaphore(%run_scoped3A : memref<!tpu.dma_semaphore, #tpu.memory_space<semaphore_mem>>) src(%arg6 : memref<64xf32, #tpu.memory_space<hbm>>) dst(%arg14 : memref<64xf32, #tpu.memory_space<vmem>>)
      tpu.yield
    }) : () -> ()
    %barrier3A = arith.constant 0 : index
    tpu.barrier barrier_id(%barrier3A)
    %get3A = arith.constant 0 : index
    %get3A_3 = tpu.vector_load %arg14[%get3A] {strides = array<i32>} : memref<64xf32, #tpu.memory_space<vmem>>, vector<16xf32>,
    %get3A_4 = arith.constant 16 : index
    %get3A_5 = tpu.vector_load %arg14[%get3A_4] {strides = array<i32>} : memref<64xf32, #tpu.memory_space<vmem>>, vector<16xf32>,
    %get3A_6 = arith.constant 32 : index
    %get3A_7 = tpu.vector_load %arg14[%get3A_6] {strides = array<i32>} : memref<64xf32, #tpu.memory_space<vmem>>, vector<16xf32>,
    %get3A_8 = arith.constant 48 : index
    %get3A_9 = tpu.vector_load %arg14[%get3A_8] {strides = array<i32>} : memref<64xf32, #tpu.memory_space<vmem>>, vector<16xf32>,
    %iota3A = tpu.iota {dimensions = array<i32: 0>} : vector<16xi32>
    %mul3A_10 = arith.constant 10000 : i32
    %mul3A_11 = arith.muli %add3A, %mul3A_10 : i32
    %scan3A = arith.constant 0 : i32
    %scan3A_12 = arith.constant 0 : i32
    %scan3A_13 = arith.constant 125 : i32
    %scan3A_14 = arith.addi %scan3A_12, %scan3A_13 : i32
    %scan3A_15 = arith.constant 1 : i32
    scf.for %scan3A_22 = %scan3A_12 to %scan3A_14 step %scan3A_15  : i32 {
      %mul3A_23 = arith.constant 80 : i32
      %mul3A_24 = arith.muli %scan3A_22, %mul3A_23 : i32
      %add3A_25 = arith.addi %mul3A_11, %mul3A_24 : i32
      "tpu.region"() ({
        %run_scoped3A = tpu.sem_alloc : memref<!tpu.dma_semaphore, #tpu.memory_space<semaphore_mem>>
        %dma_start3A_42 = tpu.memref_slice %arg2[%add3A_25] : memref<320000xi32, #tpu.memory_space<hbm>> -> memref<80xi32, #tpu.memory_space<hbm>>
        %dma_start3A_43 = tpu.memref_slice %arg2[%add3A_25] : memref<320000xi32, #tpu.memory_space<hbm>> -> memref<80xi32, #tpu.memory_space<hbm>>
        tpu.enqueue_dma source(%dma_start3A_43 : memref<80xi32, #tpu.memory_space<hbm>>) target(%arg9 : memref<80xi32, #tpu.memory_space<vmem>>) target_semaphore(%run_scoped3A : memref<!tpu.dma_semaphore, #tpu.memory_space<semaphore_mem>>)
        %dma_wait3A_44 = tpu.memref_slice %arg2[%add3A_25] : memref<320000xi32, #tpu.memory_space<hbm>> -> memref<80xi32, #tpu.memory_space<hbm>>
        %dma_wait3A_45 = tpu.memref_slice %arg2[%add3A_25] : memref<320000xi32, #tpu.memory_space<hbm>> -> memref<80xi32, #tpu.memory_space<hbm>>
        tpu.wait_dma2 semaphore(%run_scoped3A : memref<!tpu.dma_semaphore, #tpu.memory_space<semaphore_mem>>) src(%dma_wait3A_45 : memref<80xi32, #tpu.memory_space<hbm>>) dst(%arg9 : memref<80xi32, #tpu.memory_space<vmem>>)
        tpu.yield
      }) : () -> ()
      "tpu.region"() ({
        %run_scoped3A = tpu.sem_alloc : memref<!tpu.dma_semaphore, #tpu.memory_space<semaphore_mem>>
        %dma_start3A_42 = tpu.memref_slice %arg3[%add3A_25] : memref<320000xi32, #tpu.memory_space<hbm>> -> memref<80xi32, #tpu.memory_space<hbm>>
        %dma_start3A_43 = tpu.memref_slice %arg3[%add3A_25] : memref<320000xi32, #tpu.memory_space<hbm>> -> memref<80xi32, #tpu.memory_space<hbm>>
        tpu.enqueue_dma source(%dma_start3A_43 : memref<80xi32, #tpu.memory_space<hbm>>) target(%arg10 : memref<80xi32, #tpu.memory_space<vmem>>) target_semaphore(%run_scoped3A : memref<!tpu.dma_semaphore, #tpu.memory_space<semaphore_mem>>)
        %dma_wait3A_44 = tpu.memref_slice %arg3[%add3A_25] : memref<320000xi32, #tpu.memory_space<hbm>> -> memref<80xi32, #tpu.memory_space<hbm>>
        %dma_wait3A_45 = tpu.memref_slice %arg3[%add3A_25] : memref<320000xi32, #tpu.memory_space<hbm>> -> memref<80xi32, #tpu.memory_space<hbm>>
        tpu.wait_dma2 semaphore(%run_scoped3A : memref<!tpu.dma_semaphore, #tpu.memory_space<semaphore_mem>>) src(%dma_wait3A_45 : memref<80xi32, #tpu.memory_space<hbm>>) dst(%arg10 : memref<80xi32, #tpu.memory_space<vmem>>)
        tpu.yield
      }) : () -> ()
      %dma_start3A = arith.constant 0 : i32
      %dma_start3A_26 = arith.constant 0 : i32
      %dma_start3A_27 = tpu.memref_slice %arg4[%dma_start3A, %dma_start3A_26] : memref<10000x64xf32, #tpu.memory_space<hbm>> -> memref<10000x64xf32, #tpu.memory_space<hbm>>
      tpu.enqueue_indirect_dma source(%dma_start3A_27 : memref<10000x64xf32, #tpu.memory_space<hbm>>) target(%arg11 : memref<80x64xf32, #tpu.memory_space<vmem>>) offsets(%arg9 : memref<80xi32, #tpu.memory_space<vmem>>) semaphore(%arg16 : memref<!tpu.dma_semaphore, #tpu.memory_space<semaphore_mem>>)
      %dma_start3A_28 = arith.constant 0 : i32
      %dma_start3A_29 = arith.constant 0 : i32
      %dma_start3A_30 = tpu.memref_slice %arg5[%dma_start3A_28, %dma_start3A_29] : memref<10000x64xf32, #tpu.memory_space<hbm>> -> memref<10000x64xf32, #tpu.memory_space<hbm>>
      tpu.enqueue_indirect_dma source(%dma_start3A_30 : memref<10000x64xf32, #tpu.memory_space<hbm>>) target(%arg12 : memref<80x64xf32, #tpu.memory_space<vmem>>) offsets(%arg10 : memref<80xi32, #tpu.memory_space<vmem>>) semaphore(%arg16 : memref<!tpu.dma_semaphore, #tpu.memory_space<semaphore_mem>>)
      %dma_wait3A = arith.constant 0 : i32
      %dma_wait3A_31 = arith.constant 0 : i32
      %dma_wait3A_32 = tpu.memref_slice %arg4[%dma_wait3A, %dma_wait3A_31] : memref<10000x64xf32, #tpu.memory_space<hbm>> -> memref<10000x64xf32, #tpu.memory_space<hbm>>
      tpu.wait_indirect_dma semaphore(%arg16 : memref<!tpu.dma_semaphore, #tpu.memory_space<semaphore_mem>>) src(%dma_wait3A_32 : memref<10000x64xf32, #tpu.memory_space<hbm>>) dst(%arg11 : memref<80x64xf32, #tpu.memory_space<vmem>>)
      %dma_wait3A_33 = arith.constant 0 : i32
      %dma_wait3A_34 = arith.constant 0 : i32
      %dma_wait3A_35 = tpu.memref_slice %arg5[%dma_wait3A_33, %dma_wait3A_34] : memref<10000x64xf32, #tpu.memory_space<hbm>> -> memref<10000x64xf32, #tpu.memory_space<hbm>>
      tpu.wait_indirect_dma semaphore(%arg16 : memref<!tpu.dma_semaphore, #tpu.memory_space<semaphore_mem>>) src(%dma_wait3A_35 : memref<10000x64xf32, #tpu.memory_space<hbm>>) dst(%arg12 : memref<80x64xf32, #tpu.memory_space<vmem>>)
      %scan3A_36 = arith.constant 0 : i32
      %scan3A_37 = arith.constant 0 : i32
      %scan3A_38 = arith.constant 80 : i32
      %scan3A_39 = arith.addi %scan3A_37, %scan3A_38 : i32
      %scan3A_40 = arith.constant 2 : i32
      scf.for %scan3A_42 = %scan3A_37 to %scan3A_39 step %scan3A_40  : i32 {
        %broadcast_in_dim3A = arith.constant 0.000000e+00 : f32
        %broadcast_in_dim3A_43 = vector.broadcast %broadcast_in_dim3A : f32 to vector<16xf32>
        %get3A_44 = arith.index_cast %scan3A_42 : i32 to index
        %get3A_45 = arith.constant 0 : index
        %get3A_46 = tpu.vector_load %arg11[%get3A_44, %get3A_45] {strides = array<i32>} : memref<80x64xf32, #tpu.memory_space<vmem>>, vector<16xf32>,
        %get3A_47 = arith.index_cast %scan3A_42 : i32 to index
        %get3A_48 = arith.constant 0 : index
        %get3A_49 = tpu.vector_load %arg12[%get3A_47, %get3A_48] {strides = array<i32>} : memref<80x64xf32, #tpu.memory_space<vmem>>, vector<16xf32>,
        %add3A_50 = arith.addf %get3A_46, %get3A_49 : vector<16xf32>
        %mul3A_51 = arith.constant 2.000000e-01 : f32
        %mul3A_52 = vector.broadcast %mul3A_51 : f32 to vector<16xf32>
        %mul3A_53 = arith.mulf %mul3A_52, %add3A_50 : vector<16xf32>
        %max3A = arith.maximumf %add3A_50, %mul3A_53 : vector<16xf32>
        %mul3A_54 = arith.mulf %max3A, %get3A_3 : vector<16xf32>
        %reduce_sum3A = arith.constant true
        %reduce_sum3A_55 = vector.broadcast %reduce_sum3A : i1 to vector<16xi1>
        %reduce_sum3A_56 = tpu.scan <sum>, %mul3A_54 masked %reduce_sum3A_55 : vector<16xf32>, vector<16xi1> -> vector<16xf32>
        %reduce_sum3A_57 = vector.extract %reduce_sum3A_56[15] : f32 from vector<16xf32>
        %get3A_58 = arith.index_cast %scan3A_42 : i32 to index
        %get3A_59 = arith.constant 16 : index
        %get3A_60 = tpu.vector_load %arg11[%get3A_58, %get3A_59] {strides = array<i32>} : memref<80x64xf32, #tpu.memory_space<vmem>>, vector<16xf32>,
        %get3A_61 = arith.index_cast %scan3A_42 : i32 to index
        %get3A_62 = arith.constant 16 : index
        %get3A_63 = tpu.vector_load %arg12[%get3A_61, %get3A_62] {strides = array<i32>} : memref<80x64xf32, #tpu.memory_space<vmem>>, vector<16xf32>,
        %add3A_64 = arith.addf %get3A_60, %get3A_63 : vector<16xf32>
        %mul3A_65 = arith.constant 2.000000e-01 : f32
        %mul3A_66 = vector.broadcast %mul3A_65 : f32 to vector<16xf32>
        %mul3A_67 = arith.mulf %mul3A_66, %add3A_64 : vector<16xf32>
        %max3A_68 = arith.maximumf %add3A_64, %mul3A_67 : vector<16xf32>
        %mul3A_69 = arith.mulf %max3A_68, %get3A_5 : vector<16xf32>
        %reduce_sum3A_70 = arith.constant true
        %reduce_sum3A_71 = vector.broadcast %reduce_sum3A_70 : i1 to vector<16xi1>
        %reduce_sum3A_72 = tpu.scan <sum>, %mul3A_69 masked %reduce_sum3A_71 : vector<16xf32>, vector<16xi1> -> vector<16xf32>
        %reduce_sum3A_73 = vector.extract %reduce_sum3A_72[15] : f32 from vector<16xf32>
        %add3A_74 = arith.addf %reduce_sum3A_57, %reduce_sum3A_73 : f32
        %broadcast_in_dim3A_75 = vector.broadcast %add3A_74 : f32 to vector<16xf32>
        %exp3A = math.exp %broadcast_in_dim3A_75 : vector<16xf32>
        %mul3A_76 = arith.mulf %exp3A, %get3A_46 : vector<16xf32>
        %swap3A = arith.index_cast %scan3A_42 : i32 to index
        %swap3A_77 = arith.constant 0 : index
        %swap3A_78 = tpu.vector_load %arg13[%swap3A, %swap3A_77] {strides = array<i32>} : memref<80x80xf32, #tpu.memory_space<vmem>>, vector<16xf32>,
        tpu.vector_store %arg13[%swap3A, %swap3A_77], %mul3A_76 {strides = array<i32>} : memref<80x80xf32, #tpu.memory_space<vmem>>, vector<16xf32>,
        %mul3A_79 = arith.mulf %exp3A, %get3A_60 : vector<16xf32>
        %swap3A_80 = arith.index_cast %scan3A_42 : i32 to index
        %swap3A_81 = arith.constant 16 : index
        %swap3A_82 = tpu.vector_load %arg13[%swap3A_80, %swap3A_81] {strides = array<i32>} : memref<80x80xf32, #tpu.memory_space<vmem>>, vector<16xf32>,
        tpu.vector_store %arg13[%swap3A_80, %swap3A_81], %mul3A_79 {strides = array<i32>} : memref<80x80xf32, #tpu.memory_space<vmem>>, vector<16xf32>,
        %eq3A = arith.constant 0 : i32
        %eq3A_83 = vector.broadcast %eq3A : i32 to vector<16xi32>
        %eq3A_84 = arith.cmpi eq, %iota3A, %eq3A_83 : vector<16xi32>
        %select_n3A = arith.select %eq3A_84, %exp3A, %broadcast_in_dim3A_43 : vector<16xi1>, vector<16xf32>
        %get3A_85 = arith.index_cast %scan3A_42 : i32 to index
        %get3A_86 = arith.constant 32 : index
        %get3A_87 = tpu.vector_load %arg11[%get3A_85, %get3A_86] {strides = array<i32>} : memref<80x64xf32, #tpu.memory_space<vmem>>, vector<16xf32>,
        %get3A_88 = arith.index_cast %scan3A_42 : i32 to index
        %get3A_89 = arith.constant 32 : index
        %get3A_90 = tpu.vector_load %arg12[%get3A_88, %get3A_89] {strides = array<i32>} : memref<80x64xf32, #tpu.memory_space<vmem>>, vector<16xf32>,
        %add3A_91 = arith.addf %get3A_87, %get3A_90 : vector<16xf32>
        %mul3A_92 = arith.constant 2.000000e-01 : f32
        %mul3A_93 = vector.broadcast %mul3A_92 : f32 to vector<16xf32>
        %mul3A_94 = arith.mulf %mul3A_93, %add3A_91 : vector<16xf32>
        %max3A_95 = arith.maximumf %add3A_91, %mul3A_94 : vector<16xf32>
        %mul3A_96 = arith.mulf %max3A_95, %get3A_7 : vector<16xf32>
        %reduce_sum3A_97 = arith.constant true
        %reduce_sum3A_98 = vector.broadcast %reduce_sum3A_97 : i1 to vector<16xi1>
        %reduce_sum3A_99 = tpu.scan <sum>, %mul3A_96 masked %reduce_sum3A_98 : vector<16xf32>, vector<16xi1> -> vector<16xf32>
        %reduce_sum3A_100 = vector.extract %reduce_sum3A_99[15] : f32 from vector<16xf32>
        %get3A_101 = arith.index_cast %scan3A_42 : i32 to index
        %get3A_102 = arith.constant 48 : index
        %get3A_103 = tpu.vector_load %arg11[%get3A_101, %get3A_102] {strides = array<i32>} : memref<80x64xf32, #tpu.memory_space<vmem>>, vector<16xf32>,
        %get3A_104 = arith.index_cast %scan3A_42 : i32 to index
        %get3A_105 = arith.constant 48 : index
        %get3A_106 = tpu.vector_load %arg12[%get3A_104, %get3A_105] {strides = array<i32>} : memref<80x64xf32, #tpu.memory_space<vmem>>, vector<16xf32>,
        %add3A_107 = arith.addf %get3A_103, %get3A_106 : vector<16xf32>
        %mul3A_108 = arith.constant 2.000000e-01 : f32
        %mul3A_109 = vector.broadcast %mul3A_108 : f32 to vector<16xf32>
        %mul3A_110 = arith.mulf %mul3A_109, %add3A_107 : vector<16xf32>
        %max3A_111 = arith.maximumf %add3A_107, %mul3A_110 : vector<16xf32>
        %mul3A_112 = arith.mulf %max3A_111, %get3A_9 : vector<16xf32>
        %reduce_sum3A_113 = arith.constant true
        %reduce_sum3A_114 = vector.broadcast %reduce_sum3A_113 : i1 to vector<16xi1>
        %reduce_sum3A_115 = tpu.scan <sum>, %mul3A_112 masked %reduce_sum3A_114 : vector<16xf32>, vector<16xi1> -> vector<16xf32>
        %reduce_sum3A_116 = vector.extract %reduce_sum3A_115[15] : f32 from vector<16xf32>
        %add3A_117 = arith.addf %reduce_sum3A_100, %reduce_sum3A_116 : f32
        %broadcast_in_dim3A_118 = vector.broadcast %add3A_117 : f32 to vector<16xf32>
        %exp3A_119 = math.exp %broadcast_in_dim3A_118 : vector<16xf32>
        %mul3A_120 = arith.mulf %exp3A_119, %get3A_87 : vector<16xf32>
        %swap3A_121 = arith.index_cast %scan3A_42 : i32 to index
        %swap3A_122 = arith.constant 32 : index
        %swap3A_123 = tpu.vector_load %arg13[%swap3A_121, %swap3A_122] {strides = array<i32>} : memref<80x80xf32, #tpu.memory_space<vmem>>, vector<16xf32>,
        tpu.vector_store %arg13[%swap3A_121, %swap3A_122], %mul3A_120 {strides = array<i32>} : memref<80x80xf32, #tpu.memory_space<vmem>>, vector<16xf32>,
        %mul3A_124 = arith.mulf %exp3A_119, %get3A_103 : vector<16xf32>
        %swap3A_125 = arith.index_cast %scan3A_42 : i32 to index
        %swap3A_126 = arith.constant 48 : index
        %swap3A_127 = tpu.vector_load %arg13[%swap3A_125, %swap3A_126] {strides = array<i32>} : memref<80x80xf32, #tpu.memory_space<vmem>>, vector<16xf32>,
        tpu.vector_store %arg13[%swap3A_125, %swap3A_126], %mul3A_124 {strides = array<i32>} : memref<80x80xf32, #tpu.memory_space<vmem>>, vector<16xf32>,
        %eq3A_128 = arith.constant 1 : i32
        %eq3A_129 = vector.broadcast %eq3A_128 : i32 to vector<16xi32>
        %eq3A_130 = arith.cmpi eq, %iota3A, %eq3A_129 : vector<16xi32>
        %select_n3A_131 = arith.select %eq3A_130, %exp3A_119, %select_n3A : vector<16xi1>, vector<16xf32>
        %swap3A_132 = arith.index_cast %scan3A_42 : i32 to index
        %swap3A_133 = arith.constant 64 : index
        %swap3A_134 = tpu.vector_load %arg13[%swap3A_132, %swap3A_133] {strides = array<i32>} : memref<80x80xf32, #tpu.memory_space<vmem>>, vector<16xf32>,
        tpu.vector_store %arg13[%swap3A_132, %swap3A_133], %select_n3A_131 {strides = array<i32>} : memref<80x80xf32, #tpu.memory_space<vmem>>, vector<16xf32>,
        %scan3A_135 = arith.constant 1 : i32
        %scan3A_136 = arith.addi %scan3A_42, %scan3A_135 : i32
        %broadcast_in_dim3A_137 = arith.constant 0.000000e+00 : f32
        %broadcast_in_dim3A_138 = vector.broadcast %broadcast_in_dim3A_137 : f32 to vector<16xf32>
        %get3A_139 = arith.index_cast %scan3A_136 : i32 to index
        %get3A_140 = arith.constant 0 : index
        %get3A_141 = tpu.vector_load %arg11[%get3A_139, %get3A_140] {strides = array<i32>} : memref<80x64xf32, #tpu.memory_space<vmem>>, vector<16xf32>,
        %get3A_142 = arith.index_cast %scan3A_136 : i32 to index
        %get3A_143 = arith.constant 0 : index
        %get3A_144 = tpu.vector_load %arg12[%get3A_142, %get3A_143] {strides = array<i32>} : memref<80x64xf32, #tpu.memory_space<vmem>>, vector<16xf32>,
        %add3A_145 = arith.addf %get3A_141, %get3A_144 : vector<16xf32>
        %mul3A_146 = arith.constant 2.000000e-01 : f32
        %mul3A_147 = vector.broadcast %mul3A_146 : f32 to vector<16xf32>
        %mul3A_148 = arith.mulf %mul3A_147, %add3A_145 : vector<16xf32>
        %max3A_149 = arith.maximumf %add3A_145, %mul3A_148 : vector<16xf32>
        %mul3A_150 = arith.mulf %max3A_149, %get3A_3 : vector<16xf32>
        %reduce_sum3A_151 = arith.constant true
        %reduce_sum3A_152 = vector.broadcast %reduce_sum3A_151 : i1 to vector<16xi1>
        %reduce_sum3A_153 = tpu.scan <sum>, %mul3A_150 masked %reduce_sum3A_152 : vector<16xf32>, vector<16xi1> -> vector<16xf32>
        %reduce_sum3A_154 = vector.extract %reduce_sum3A_153[15] : f32 from vector<16xf32>
        %get3A_155 = arith.index_cast %scan3A_136 : i32 to index
        %get3A_156 = arith.constant 16 : index
        %get3A_157 = tpu.vector_load %arg11[%get3A_155, %get3A_156] {strides = array<i32>} : memref<80x64xf32, #tpu.memory_space<vmem>>, vector<16xf32>,
        %get3A_158 = arith.index_cast %scan3A_136 : i32 to index
        %get3A_159 = arith.constant 16 : index
        %get3A_160 = tpu.vector_load %arg12[%get3A_158, %get3A_159] {strides = array<i32>} : memref<80x64xf32, #tpu.memory_space<vmem>>, vector<16xf32>,
        %add3A_161 = arith.addf %get3A_157, %get3A_160 : vector<16xf32>
        %mul3A_162 = arith.constant 2.000000e-01 : f32
        %mul3A_163 = vector.broadcast %mul3A_162 : f32 to vector<16xf32>
        %mul3A_164 = arith.mulf %mul3A_163, %add3A_161 : vector<16xf32>
        %max3A_165 = arith.maximumf %add3A_161, %mul3A_164 : vector<16xf32>
        %mul3A_166 = arith.mulf %max3A_165, %get3A_5 : vector<16xf32>
        %reduce_sum3A_167 = arith.constant true
        %reduce_sum3A_168 = vector.broadcast %reduce_sum3A_167 : i1 to vector<16xi1>
        %reduce_sum3A_169 = tpu.scan <sum>, %mul3A_166 masked %reduce_sum3A_168 : vector<16xf32>, vector<16xi1> -> vector<16xf32>
        %reduce_sum3A_170 = vector.extract %reduce_sum3A_169[15] : f32 from vector<16xf32>
        %add3A_171 = arith.addf %reduce_sum3A_154, %reduce_sum3A_170 : f32
        %broadcast_in_dim3A_172 = vector.broadcast %add3A_171 : f32 to vector<16xf32>
        %exp3A_173 = math.exp %broadcast_in_dim3A_172 : vector<16xf32>
        %mul3A_174 = arith.mulf %exp3A_173, %get3A_141 : vector<16xf32>
        %swap3A_175 = arith.index_cast %scan3A_136 : i32 to index
        %swap3A_176 = arith.constant 0 : index
        %swap3A_177 = tpu.vector_load %arg13[%swap3A_175, %swap3A_176] {strides = array<i32>} : memref<80x80xf32, #tpu.memory_space<vmem>>, vector<16xf32>,
        tpu.vector_store %arg13[%swap3A_175, %swap3A_176], %mul3A_174 {strides = array<i32>} : memref<80x80xf32, #tpu.memory_space<vmem>>, vector<16xf32>,
        %mul3A_178 = arith.mulf %exp3A_173, %get3A_157 : vector<16xf32>
        %swap3A_179 = arith.index_cast %scan3A_136 : i32 to index
        %swap3A_180 = arith.constant 16 : index
        %swap3A_181 = tpu.vector_load %arg13[%swap3A_179, %swap3A_180] {strides = array<i32>} : memref<80x80xf32, #tpu.memory_space<vmem>>, vector<16xf32>,
        tpu.vector_store %arg13[%swap3A_179, %swap3A_180], %mul3A_178 {strides = array<i32>} : memref<80x80xf32, #tpu.memory_space<vmem>>, vector<16xf32>,
        %eq3A_182 = arith.constant 0 : i32
        %eq3A_183 = vector.broadcast %eq3A_182 : i32 to vector<16xi32>
        %eq3A_184 = arith.cmpi eq, %iota3A, %eq3A_183 : vector<16xi32>
        %select_n3A_185 = arith.select %eq3A_184, %exp3A_173, %broadcast_in_dim3A_138 : vector<16xi1>, vector<16xf32>
        %get3A_186 = arith.index_cast %scan3A_136 : i32 to index
        %get3A_187 = arith.constant 32 : index
        %get3A_188 = tpu.vector_load %arg11[%get3A_186, %get3A_187] {strides = array<i32>} : memref<80x64xf32, #tpu.memory_space<vmem>>, vector<16xf32>,
        %get3A_189 = arith.index_cast %scan3A_136 : i32 to index
        %get3A_190 = arith.constant 32 : index
        %get3A_191 = tpu.vector_load %arg12[%get3A_189, %get3A_190] {strides = array<i32>} : memref<80x64xf32, #tpu.memory_space<vmem>>, vector<16xf32>,
        %add3A_192 = arith.addf %get3A_188, %get3A_191 : vector<16xf32>
        %mul3A_193 = arith.constant 2.000000e-01 : f32
        %mul3A_194 = vector.broadcast %mul3A_193 : f32 to vector<16xf32>
        %mul3A_195 = arith.mulf %mul3A_194, %add3A_192 : vector<16xf32>
        %max3A_196 = arith.maximumf %add3A_192, %mul3A_195 : vector<16xf32>
        %mul3A_197 = arith.mulf %max3A_196, %get3A_7 : vector<16xf32>
        %reduce_sum3A_198 = arith.constant true
        %reduce_sum3A_199 = vector.broadcast %reduce_sum3A_198 : i1 to vector<16xi1>
        %reduce_sum3A_200 = tpu.scan <sum>, %mul3A_197 masked %reduce_sum3A_199 : vector<16xf32>, vector<16xi1> -> vector<16xf32>
        %reduce_sum3A_201 = vector.extract %reduce_sum3A_200[15] : f32 from vector<16xf32>
        %get3A_202 = arith.index_cast %scan3A_136 : i32 to index
        %get3A_203 = arith.constant 48 : index
        %get3A_204 = tpu.vector_load %arg11[%get3A_202, %get3A_203] {strides = array<i32>} : memref<80x64xf32, #tpu.memory_space<vmem>>, vector<16xf32>,
        %get3A_205 = arith.index_cast %scan3A_136 : i32 to index
        %get3A_206 = arith.constant 48 : index
        %get3A_207 = tpu.vector_load %arg12[%get3A_205, %get3A_206] {strides = array<i32>} : memref<80x64xf32, #tpu.memory_space<vmem>>, vector<16xf32>,
        %add3A_208 = arith.addf %get3A_204, %get3A_207 : vector<16xf32>
        %mul3A_209 = arith.constant 2.000000e-01 : f32
        %mul3A_210 = vector.broadcast %mul3A_209 : f32 to vector<16xf32>
        %mul3A_211 = arith.mulf %mul3A_210, %add3A_208 : vector<16xf32>
        %max3A_212 = arith.maximumf %add3A_208, %mul3A_211 : vector<16xf32>
        %mul3A_213 = arith.mulf %max3A_212, %get3A_9 : vector<16xf32>
        %reduce_sum3A_214 = arith.constant true
        %reduce_sum3A_215 = vector.broadcast %reduce_sum3A_214 : i1 to vector<16xi1>
        %reduce_sum3A_216 = tpu.scan <sum>, %mul3A_213 masked %reduce_sum3A_215 : vector<16xf32>, vector<16xi1> -> vector<16xf32>
        %reduce_sum3A_217 = vector.extract %reduce_sum3A_216[15] : f32 from vector<16xf32>
        %add3A_218 = arith.addf %reduce_sum3A_201, %reduce_sum3A_217 : f32
        %broadcast_in_dim3A_219 = vector.broadcast %add3A_218 : f32 to vector<16xf32>
        %exp3A_220 = math.exp %broadcast_in_dim3A_219 : vector<16xf32>
        %mul3A_221 = arith.mulf %exp3A_220, %get3A_188 : vector<16xf32>
        %swap3A_222 = arith.index_cast %scan3A_136 : i32 to index
        %swap3A_223 = arith.constant 32 : index
        %swap3A_224 = tpu.vector_load %arg13[%swap3A_222, %swap3A_223] {strides = array<i32>} : memref<80x80xf32, #tpu.memory_space<vmem>>, vector<16xf32>,
        tpu.vector_store %arg13[%swap3A_222, %swap3A_223], %mul3A_221 {strides = array<i32>} : memref<80x80xf32, #tpu.memory_space<vmem>>, vector<16xf32>,
        %mul3A_225 = arith.mulf %exp3A_220, %get3A_204 : vector<16xf32>
        %swap3A_226 = arith.index_cast %scan3A_136 : i32 to index
        %swap3A_227 = arith.constant 48 : index
        %swap3A_228 = tpu.vector_load %arg13[%swap3A_226, %swap3A_227] {strides = array<i32>} : memref<80x80xf32, #tpu.memory_space<vmem>>, vector<16xf32>,
        tpu.vector_store %arg13[%swap3A_226, %swap3A_227], %mul3A_225 {strides = array<i32>} : memref<80x80xf32, #tpu.memory_space<vmem>>, vector<16xf32>,
        %eq3A_229 = arith.constant 1 : i32
        %eq3A_230 = vector.broadcast %eq3A_229 : i32 to vector<16xi32>
        %eq3A_231 = arith.cmpi eq, %iota3A, %eq3A_230 : vector<16xi32>
        %select_n3A_232 = arith.select %eq3A_231, %exp3A_220, %select_n3A_185 : vector<16xi1>, vector<16xf32>
        %swap3A_233 = arith.index_cast %scan3A_136 : i32 to index
        %swap3A_234 = arith.constant 64 : index
        %swap3A_235 = tpu.vector_load %arg13[%swap3A_233, %swap3A_234] {strides = array<i32>} : memref<80x80xf32, #tpu.memory_space<vmem>>, vector<16xf32>,
        tpu.vector_store %arg13[%swap3A_233, %swap3A_234], %select_n3A_232 {strides = array<i32>} : memref<80x80xf32, #tpu.memory_space<vmem>>, vector<16xf32>,
      }
      %scan3A_41 = arith.constant 80 : i32
      "tpu.region"() ({
        %run_scoped3A = tpu.sem_alloc : memref<!tpu.dma_semaphore, #tpu.memory_space<semaphore_mem>>
        %dma_start3A_42 = arith.constant 0 : i32
        %dma_start3A_43 = arith.constant 0 : i32
        %dma_start3A_44 = tpu.memref_slice %arg15[%dma_start3A_42, %dma_start3A_43] : memref<10112x80xf32, #tpu.memory_space<vmem_shared>> -> memref<10112x80xf32, #tpu.memory_space<vmem_shared>>
        tpu.enqueue_indirect_dma source(%arg13 : memref<80x80xf32, #tpu.memory_space<vmem>>) target(%dma_start3A_44 : memref<10112x80xf32, #tpu.memory_space<vmem_shared>>) offsets(%arg10 : memref<80xi32, #tpu.memory_space<vmem>>) semaphore(%run_scoped3A : memref<!tpu.dma_semaphore, #tpu.memory_space<semaphore_mem>>) {add = true}
        %dma_wait3A_45 = arith.constant 0 : i32
        %dma_wait3A_46 = arith.constant 0 : i32
        %dma_wait3A_47 = tpu.memref_slice %arg15[%dma_wait3A_45, %dma_wait3A_46] : memref<10112x80xf32, #tpu.memory_space<vmem_shared>> -> memref<10112x80xf32, #tpu.memory_space<vmem_shared>>
        tpu.wait_indirect_dma semaphore(%run_scoped3A : memref<!tpu.dma_semaphore, #tpu.memory_space<semaphore_mem>>) src(%arg13 : memref<80x80xf32, #tpu.memory_space<vmem>>) dst(%dma_wait3A_47 : memref<10112x80xf32, #tpu.memory_space<vmem_shared>>)
        tpu.yield
      }) : () -> ()
    }
    %scan3A_16 = arith.constant 125 : i32
    %barrier3A_17 = arith.constant 0 : index
    tpu.barrier barrier_id(%barrier3A_17)
    %mul3A_18 = arith.constant 632 : i32
    %mul3A_19 = arith.muli %arg1, %mul3A_18 : i32
    %mul3A_20 = arith.constant 632 : i32
    %mul3A_21 = arith.muli %arg1, %mul3A_20 : i32
    "tpu.region"() ({
      %run_scoped3A = tpu.sem_alloc : memref<!tpu.dma_semaphore, #tpu.memory_space<semaphore_mem>>
      %dma_start3A = arith.constant 0 : i32
      %dma_start3A_22 = tpu.memref_slice %arg8[%arg0, %mul3A_21, %dma_start3A] : memref<2x10112x80xf32, #tpu.memory_space<hbm>> -> memref<1x632x80xf32, #tpu.memory_space<hbm>>
      %dma_start3A_23 = tpu.memref_squeeze %dma_start3A_22 : memref<1x632x80xf32, #tpu.memory_space<hbm>> -> memref<632x80xf32, #tpu.memory_space<hbm>>
      %dma_start3A_24 = arith.constant 0 : i32
      %dma_start3A_25 = tpu.memref_slice %arg15[%mul3A_19, %dma_start3A_24] : memref<10112x80xf32, #tpu.memory_space<vmem_shared>> -> memref<632x80xf32, #tpu.memory_space<vmem_shared>>
      tpu.enqueue_dma source(%dma_start3A_25 : memref<632x80xf32, #tpu.memory_space<vmem_shared>>) target(%dma_start3A_23 : memref<632x80xf32, #tpu.memory_space<hbm>>) target_semaphore(%run_scoped3A : memref<!tpu.dma_semaphore, #tpu.memory_space<semaphore_mem>>)
      %dma_wait3A = arith.constant 0 : i32
      %dma_wait3A_26 = tpu.memref_slice %arg8[%arg0, %mul3A_21, %dma_wait3A] : memref<2x10112x80xf32, #tpu.memory_space<hbm>> -> memref<1x632x80xf32, #tpu.memory_space<hbm>>
      %dma_wait3A_27 = tpu.memref_squeeze %dma_wait3A_26 : memref<1x632x80xf32, #tpu.memory_space<hbm>> -> memref<632x80xf32, #tpu.memory_space<hbm>>
      %dma_wait3A_28 = arith.constant 0 : i32
      %dma_wait3A_29 = tpu.memref_slice %arg15[%mul3A_19, %dma_wait3A_28] : memref<10112x80xf32, #tpu.memory_space<vmem_shared>> -> memref<632x80xf32, #tpu.memory_space<vmem_shared>>
      tpu.wait_dma2 semaphore(%run_scoped3A : memref<!tpu.dma_semaphore, #tpu.memory_space<semaphore_mem>>) src(%dma_wait3A_29 : memref<632x80xf32, #tpu.memory_space<vmem_shared>>) dst(%dma_wait3A_27 : memref<632x80xf32, #tpu.memory_space<hbm>>)
      tpu.yield
    }) : () -> ()
    return
  }
}

module attributes {stable_mosaic.version = 14 : i64} {
  func.func @_proj_body(%arg0: i32, %arg1: memref<1000x128xf32, #tpu.memory_space<vmem>>, %arg2: memref<128x64xf32, #tpu.memory_space<vmem>>, %arg3: memref<1x64xf32, #tpu.memory_space<vmem>>, %arg4: memref<128x64xf32, #tpu.memory_space<vmem>>, %arg5: memref<1x64xf32, #tpu.memory_space<vmem>>, %arg6: memref<1x64xf32, #tpu.memory_space<vmem>>, %arg7: memref<64x8xf32, #tpu.memory_space<vmem>>, %arg8: memref<1000x64xf32, #tpu.memory_space<vmem>>, %arg9: memref<1000x64xf32, #tpu.memory_space<vmem>>, %arg10: memref<1000x8xf32, #tpu.memory_space<vmem>>) attributes {dimension_semantics = [#tpu.dimension_semantics<arbitrary>], iteration_bounds = array<i64: 10>, scalar_prefetch = 0 : i64, scratch_operands = 0 : i64, tpu.core_type = #tpu.core_type<tc>, window_params = [{transform_indices = @transform_0, window_bounds = array<i64: 1000, 128>}, {pipeline_mode = #tpu.pipeline_mode<synchronous>, transform_indices = @transform_1, window_bounds = array<i64: 128, 64>}, {pipeline_mode = #tpu.pipeline_mode<synchronous>, transform_indices = @transform_2, window_bounds = array<i64: 1, 64>}, {pipeline_mode = #tpu.pipeline_mode<synchronous>, transform_indices = @transform_3, window_bounds = array<i64: 128, 64>}, {pipeline_mode = #tpu.pipeline_mode<synchronous>, transform_indices = @transform_4, window_bounds = array<i64: 1, 64>}, {pipeline_mode = #tpu.pipeline_mode<synchronous>, transform_indices = @transform_5, window_bounds = array<i64: 1, 64>}, {pipeline_mode = #tpu.pipeline_mode<synchronous>, transform_indices = @transform_6, window_bounds = array<i64: 64, 8>}, {transform_indices = @transform_7, window_bounds = array<i64: 1000, 64>}, {transform_indices = @transform_8, window_bounds = array<i64: 1000, 64>}, {transform_indices = @transform_9, window_bounds = array<i64: 1000, 8>}]} {
    %get3A = arith.constant 0 : index
    %get3A_0 = arith.constant 0 : index
    %get3A_1 = vector.load %arg1[%get3A, %get3A_0] : memref<1000x128xf32, #tpu.memory_space<vmem>>, vector<1000x128xf32>
    %get3A_2 = arith.constant 0 : index
    %get3A_3 = arith.constant 0 : index
    %get3A_4 = vector.load %arg2[%get3A_2, %get3A_3] : memref<128x64xf32, #tpu.memory_space<vmem>>, vector<128x64xf32>
    %dot_general3A = arith.constant dense<0.000000e+00> : vector<1000x64xf32>
    %dot_general3A_5 = tpu.matmul %get3A_1, %get3A_4, %dot_general3A {dimension_numbers = #tpu.dot_dimension_numbers<[1], [0], [0], [1], [0, 0, 1, 1], [], []>, transpose_lhs_hint = false} : vector<1000x128xf32>, vector<128x64xf32>, vector<1000x64xf32> -> vector<1000x64xf32>
    %get3A_6 = arith.constant 0 : index
    %get3A_7 = arith.constant 0 : index
    %get3A_8 = vector.load %arg3[%get3A_6, %get3A_7] : memref<1x64xf32, #tpu.memory_space<vmem>>, vector<1x64xf32>
    %add3A = vector.broadcast %get3A_8 : vector<1x64xf32> to vector<1000x64xf32>
    %add3A_9 = arith.addf %dot_general3A_5, %add3A : vector<1000x64xf32>
    %get3A_10 = arith.constant 0 : index
    %get3A_11 = arith.constant 0 : index
    %get3A_12 = vector.load %arg4[%get3A_10, %get3A_11] : memref<128x64xf32, #tpu.memory_space<vmem>>, vector<128x64xf32>
    %dot_general3A_13 = arith.constant dense<0.000000e+00> : vector<1000x64xf32>
    %dot_general3A_14 = tpu.matmul %get3A_1, %get3A_12, %dot_general3A_13 {dimension_numbers = #tpu.dot_dimension_numbers<[1], [0], [0], [1], [0, 0, 1, 1], [], []>, transpose_lhs_hint = false} : vector<1000x128xf32>, vector<128x64xf32>, vector<1000x64xf32> -> vector<1000x64xf32>
    %get3A_15 = arith.constant 0 : index
    %get3A_16 = arith.constant 0 : index
    %get3A_17 = vector.load %arg5[%get3A_15, %get3A_16] : memref<1x64xf32, #tpu.memory_space<vmem>>, vector<1x64xf32>
    %add3A_18 = vector.broadcast %get3A_17 : vector<1x64xf32> to vector<1000x64xf32>
    %add3A_19 = arith.addf %dot_general3A_14, %add3A_18 : vector<1000x64xf32>
    %add3A_20 = arith.addf %add3A_9, %add3A_19 : vector<1000x64xf32>
    %mul3A = arith.constant 2.000000e-01 : f32
    %mul3A_21 = vector.broadcast %mul3A : f32 to vector<1000x64xf32>
    %mul3A_22 = arith.mulf %mul3A_21, %add3A_20 : vector<1000x64xf32>
    %max3A = arith.maximumf %add3A_20, %mul3A_22 : vector<1000x64xf32>
    %get3A_23 = arith.constant 0 : index
    %get3A_24 = arith.constant 0 : index
    %get3A_25 = vector.load %arg6[%get3A_23, %get3A_24] : memref<1x64xf32, #tpu.memory_space<vmem>>, vector<1x64xf32>
    %mul3A_26 = vector.broadcast %get3A_25 : vector<1x64xf32> to vector<1000x64xf32>
    %mul3A_27 = arith.mulf %max3A, %mul3A_26 : vector<1000x64xf32>
    %get3A_28 = arith.constant 0 : index
    %get3A_29 = arith.constant 0 : index
    %get3A_30 = vector.load %arg7[%get3A_28, %get3A_29] : memref<64x8xf32, #tpu.memory_space<vmem>>, vector<64x8xf32>
    %dot_general3A_31 = arith.constant dense<0.000000e+00> : vector<1000x8xf32>
    %dot_general3A_32 = tpu.matmul %mul3A_27, %get3A_30, %dot_general3A_31 {dimension_numbers = #tpu.dot_dimension_numbers<[1], [0], [0], [1], [0, 0, 1, 1], [], []>, transpose_lhs_hint = false} : vector<1000x64xf32>, vector<64x8xf32>, vector<1000x8xf32> -> vector<1000x8xf32>
    %swap3A = arith.constant 0 : index
    %swap3A_33 = arith.constant 0 : index
    %swap3A_34 = vector.load %arg10[%swap3A, %swap3A_33] : memref<1000x8xf32, #tpu.memory_space<vmem>>, vector<1000x8xf32>
    tpu.vector_store %arg10[%swap3A, %swap3A_33], %dot_general3A_32 {strides = array<i32>} : memref<1000x8xf32, #tpu.memory_space<vmem>>, vector<1000x8xf32>,
    %swap3A_35 = arith.constant 0 : index
    %swap3A_36 = arith.constant 0 : index
    %swap3A_37 = vector.load %arg8[%swap3A_35, %swap3A_36] : memref<1000x64xf32, #tpu.memory_space<vmem>>, vector<1000x64xf32>
    tpu.vector_store %arg8[%swap3A_35, %swap3A_36], %add3A_9 {strides = array<i32>} : memref<1000x64xf32, #tpu.memory_space<vmem>>, vector<1000x64xf32>,
    %swap3A_38 = arith.constant 0 : index
    %swap3A_39 = arith.constant 0 : index
    %swap3A_40 = vector.load %arg9[%swap3A_38, %swap3A_39] : memref<1000x64xf32, #tpu.memory_space<vmem>>, vector<1000x64xf32>
    tpu.vector_store %arg9[%swap3A_38, %swap3A_39], %add3A_19 {strides = array<i32>} : memref<1000x64xf32, #tpu.memory_space<vmem>>, vector<1000x64xf32>,
    return
  }
  func.func @transform_0(%arg0: i32) -> (i32, i32) {
    %c0_i32 = arith.constant 0 : i32
    %c0_i32_0 = arith.constant 0 : i32
    return %arg0, %c0_i32 : i32, i32
  }
  func.func @transform_1(%arg0: i32) -> (i32, i32) {
    %c0_i32 = arith.constant 0 : i32
    %c0_i32_0 = arith.constant 0 : i32
    %c0_i32_1 = arith.constant 0 : i32
    return %c0_i32, %c0_i32_0 : i32, i32
  }
  func.func @transform_2(%arg0: i32) -> (i32, i32) {
    %c0_i32 = arith.constant 0 : i32
    %c0_i32_0 = arith.constant 0 : i32
    %c0_i32_1 = arith.constant 0 : i32
    return %c0_i32, %c0_i32_0 : i32, i32
  }
  func.func @transform_3(%arg0: i32) -> (i32, i32) {
    %c0_i32 = arith.constant 0 : i32
    %c0_i32_0 = arith.constant 0 : i32
    %c0_i32_1 = arith.constant 0 : i32
    return %c0_i32, %c0_i32_0 : i32, i32
  }
  func.func @transform_4(%arg0: i32) -> (i32, i32) {
    %c0_i32 = arith.constant 0 : i32
    %c0_i32_0 = arith.constant 0 : i32
    %c0_i32_1 = arith.constant 0 : i32
    return %c0_i32, %c0_i32_0 : i32, i32
  }
  func.func @transform_5(%arg0: i32) -> (i32, i32) {
    %c0_i32 = arith.constant 0 : i32
    %c0_i32_0 = arith.constant 0 : i32
    %c0_i32_1 = arith.constant 0 : i32
    return %c0_i32, %c0_i32_0 : i32, i32
  }
  func.func @transform_6(%arg0: i32) -> (i32, i32) {
    %c0_i32 = arith.constant 0 : i32
    %c0_i32_0 = arith.constant 0 : i32
    %c0_i32_1 = arith.constant 0 : i32
    return %c0_i32, %c0_i32_0 : i32, i32
  }
  func.func @transform_7(%arg0: i32) -> (i32, i32) {
    %c0_i32 = arith.constant 0 : i32
    %c0_i32_0 = arith.constant 0 : i32
    return %arg0, %c0_i32 : i32, i32
  }
  func.func @transform_8(%arg0: i32) -> (i32, i32) {
    %c0_i32 = arith.constant 0 : i32
    %c0_i32_0 = arith.constant 0 : i32
    return %arg0, %c0_i32 : i32, i32
  }
  func.func @transform_9(%arg0: i32) -> (i32, i32) {
    %c0_i32 = arith.constant 0 : i32
    %c0_i32_0 = arith.constant 0 : i32
    return %arg0, %c0_i32 : i32, i32
  }
}

module attributes {stable_mosaic.version = 14 : i64} {
  func.func @_epi1_body(%arg0: i32, %arg1: memref<2x1000x80xf32, #tpu.memory_space<vmem>>, %arg2: memref<1000x64xf32, #tpu.memory_space<vmem>>, %arg3: memref<1000x8xf32, #tpu.memory_space<vmem>>, %arg4: memref<80x64xf32, #tpu.memory_space<vmem>>, %arg5: memref<80x64xf32, #tpu.memory_space<vmem>>, %arg6: memref<8x64xf32, #tpu.memory_space<vmem>>, %arg7: memref<1x64xf32, #tpu.memory_space<vmem>>, %arg8: memref<64x64xf32, #tpu.memory_space<vmem>>, %arg9: memref<1x64xf32, #tpu.memory_space<vmem>>, %arg10: memref<64x64xf32, #tpu.memory_space<vmem>>, %arg11: memref<1x64xf32, #tpu.memory_space<vmem>>, %arg12: memref<1x64xf32, #tpu.memory_space<vmem>>, %arg13: memref<64x8xf32, #tpu.memory_space<vmem>>, %arg14: memref<1000x64xf32, #tpu.memory_space<vmem>>, %arg15: memref<1000x64xf32, #tpu.memory_space<vmem>>, %arg16: memref<1000x8xf32, #tpu.memory_space<vmem>>) attributes {dimension_semantics = [#tpu.dimension_semantics<arbitrary>], iteration_bounds = array<i64: 10>, scalar_prefetch = 0 : i64, scratch_operands = 0 : i64, tpu.core_type = #tpu.core_type<tc>, window_params = [{transform_indices = @transform_0, window_bounds = array<i64: 2, 1000, 80>}, {transform_indices = @transform_1, window_bounds = array<i64: 1000, 64>}, {transform_indices = @transform_2, window_bounds = array<i64: 1000, 8>}, {pipeline_mode = #tpu.pipeline_mode<synchronous>, transform_indices = @transform_3, window_bounds = array<i64: 80, 64>}, {pipeline_mode = #tpu.pipeline_mode<synchronous>, transform_indices = @transform_4, window_bounds = array<i64: 80, 64>}, {pipeline_mode = #tpu.pipeline_mode<synchronous>, transform_indices = @transform_5, window_bounds = array<i64: 8, 64>}, {pipeline_mode = #tpu.pipeline_mode<synchronous>, transform_indices = @transform_6, window_bounds = array<i64: 1, 64>}, {pipeline_mode = #tpu.pipeline_mode<synchronous>, transform_indices = @transform_7, window_bounds = array<i64: 64, 64>}, {pipeline_mode = #tpu.pipeline_mode<synchronous>, transform_indices = @transform_8, window_bounds = array<i64: 1, 64>}, {pipeline_mode = #tpu.pipeline_mode<synchronous>, transform_indices = @transform_9, window_bounds = array<i64: 64, 64>}, {pipeline_mode = #tpu.pipeline_mode<synchronous>, transform_indices = @transform_10, window_bounds = array<i64: 1, 64>}, {pipeline_mode = #tpu.pipeline_mode<synchronous>, transform_indices = @transform_11, window_bounds = array<i64: 1, 64>}, {pipeline_mode = #tpu.pipeline_mode<synchronous>, transform_indices = @transform_12, window_bounds = array<i64: 64, 8>}, {transform_indices = @transform_13, window_bounds = array<i64: 1000, 64>}, {transform_indices = @transform_14, window_bounds = array<i64: 1000, 64>}, {transform_indices = @transform_15, window_bounds = array<i64: 1000, 8>}]} {
    %get3A = arith.constant 0 : index
    %get3A_0 = arith.constant 0 : index
    %get3A_1 = arith.constant 0 : index
    %get3A_2 = vector.load %arg1[%get3A, %get3A_0, %get3A_1] : memref<2x1000x80xf32, #tpu.memory_space<vmem>>, vector<1x1000x80xf32>
    %get3A_3 = vector.shape_cast %get3A_2 : vector<1x1000x80xf32> to vector<1000x80xf32>
    %get3A_4 = arith.constant 1 : index
    %get3A_5 = arith.constant 0 : index
    %get3A_6 = arith.constant 0 : index
    %get3A_7 = vector.load %arg1[%get3A_4, %get3A_5, %get3A_6] : memref<2x1000x80xf32, #tpu.memory_space<vmem>>, vector<1x1000x80xf32>
    %get3A_8 = vector.shape_cast %get3A_7 : vector<1x1000x80xf32> to vector<1000x80xf32>
    %add3A = arith.addf %get3A_3, %get3A_8 : vector<1000x80xf32>
    %get3A_9 = arith.constant 0 : index
    %get3A_10 = arith.constant 0 : index
    %get3A_11 = vector.load %arg3[%get3A_9, %get3A_10] : memref<1000x8xf32, #tpu.memory_space<vmem>>, vector<1000x8xf32>
    %exp3A = math.exp %get3A_11 : vector<1000x8xf32>
    %get3A_12 = arith.constant 0 : index
    %get3A_13 = arith.constant 0 : index
    %get3A_14 = vector.load %arg6[%get3A_12, %get3A_13] : memref<8x64xf32, #tpu.memory_space<vmem>>, vector<8x64xf32>
    %dot_general3A = arith.constant dense<0.000000e+00> : vector<1000x64xf32>
    %dot_general3A_15 = tpu.matmul %exp3A, %get3A_14, %dot_general3A {dimension_numbers = #tpu.dot_dimension_numbers<[1], [0], [0], [1], [0, 0, 1, 1], [], []>, transpose_lhs_hint = false} : vector<1000x8xf32>, vector<8x64xf32>, vector<1000x64xf32> -> vector<1000x64xf32>
    %get3A_16 = arith.constant 0 : index
    %get3A_17 = arith.constant 0 : index
    %get3A_18 = vector.load %arg4[%get3A_16, %get3A_17] : memref<80x64xf32, #tpu.memory_space<vmem>>, vector<80x64xf32>
    %dot_general3A_19 = arith.constant dense<0.000000e+00> : vector<1000x64xf32>
    %dot_general3A_20 = tpu.matmul %add3A, %get3A_18, %dot_general3A_19 {dimension_numbers = #tpu.dot_dimension_numbers<[1], [0], [0], [1], [0, 0, 1, 1], [], []>, transpose_lhs_hint = false} : vector<1000x80xf32>, vector<80x64xf32>, vector<1000x64xf32> -> vector<1000x64xf32>
    %get3A_21 = arith.constant 0 : index
    %get3A_22 = arith.constant 0 : index
    %get3A_23 = vector.load %arg2[%get3A_21, %get3A_22] : memref<1000x64xf32, #tpu.memory_space<vmem>>, vector<1000x64xf32>
    %mul3A = arith.mulf %dot_general3A_15, %get3A_23 : vector<1000x64xf32>
    %add3A_24 = arith.addf %dot_general3A_20, %mul3A : vector<1000x64xf32>
    %get3A_25 = arith.constant 0 : index
    %get3A_26 = arith.constant 0 : index
    %get3A_27 = vector.load %arg5[%get3A_25, %get3A_26] : memref<80x64xf32, #tpu.memory_space<vmem>>, vector<80x64xf32>
    %dot_general3A_28 = arith.constant dense<0.000000e+00> : vector<1000x64xf32>
    %dot_general3A_29 = tpu.matmul %add3A, %get3A_27, %dot_general3A_28 {dimension_numbers = #tpu.dot_dimension_numbers<[1], [0], [0], [1], [0, 0, 1, 1], [], []>, transpose_lhs_hint = false} : vector<1000x80xf32>, vector<80x64xf32>, vector<1000x64xf32> -> vector<1000x64xf32>
    %add3A_30 = arith.addf %dot_general3A_29, %dot_general3A_15 : vector<1000x64xf32>
    %div3A = arith.divf %add3A_24, %add3A_30 : vector<1000x64xf32>
    %get3A_31 = arith.constant 0 : index
    %get3A_32 = arith.constant 0 : index
    %get3A_33 = vector.load %arg7[%get3A_31, %get3A_32] : memref<1x64xf32, #tpu.memory_space<vmem>>, vector<1x64xf32>
    %add3A_34 = vector.broadcast %get3A_33 : vector<1x64xf32> to vector<1000x64xf32>
    %add3A_35 = arith.addf %div3A, %add3A_34 : vector<1000x64xf32>
    %max3A = arith.constant 0.000000e+00 : f32
    %max3A_36 = vector.broadcast %max3A : f32 to vector<1000x64xf32>
    %max3A_37 = arith.maximumf %add3A_35, %max3A_36 : vector<1000x64xf32>
    %get3A_38 = arith.constant 0 : index
    %get3A_39 = arith.constant 0 : index
    %get3A_40 = vector.load %arg8[%get3A_38, %get3A_39] : memref<64x64xf32, #tpu.memory_space<vmem>>, vector<64x64xf32>
    %dot_general3A_41 = arith.constant dense<0.000000e+00> : vector<1000x64xf32>
    %dot_general3A_42 = tpu.matmul %max3A_37, %get3A_40, %dot_general3A_41 {dimension_numbers = #tpu.dot_dimension_numbers<[1], [0], [0], [1], [0, 0, 1, 1], [], []>, transpose_lhs_hint = false} : vector<1000x64xf32>, vector<64x64xf32>, vector<1000x64xf32> -> vector<1000x64xf32>
    %get3A_43 = arith.constant 0 : index
    %get3A_44 = arith.constant 0 : index
    %get3A_45 = vector.load %arg9[%get3A_43, %get3A_44] : memref<1x64xf32, #tpu.memory_space<vmem>>, vector<1x64xf32>
    %add3A_46 = vector.broadcast %get3A_45 : vector<1x64xf32> to vector<1000x64xf32>
    %add3A_47 = arith.addf %dot_general3A_42, %add3A_46 : vector<1000x64xf32>
    %get3A_48 = arith.constant 0 : index
    %get3A_49 = arith.constant 0 : index
    %get3A_50 = vector.load %arg10[%get3A_48, %get3A_49] : memref<64x64xf32, #tpu.memory_space<vmem>>, vector<64x64xf32>
    %dot_general3A_51 = arith.constant dense<0.000000e+00> : vector<1000x64xf32>
    %dot_general3A_52 = tpu.matmul %max3A_37, %get3A_50, %dot_general3A_51 {dimension_numbers = #tpu.dot_dimension_numbers<[1], [0], [0], [1], [0, 0, 1, 1], [], []>, transpose_lhs_hint = false} : vector<1000x64xf32>, vector<64x64xf32>, vector<1000x64xf32> -> vector<1000x64xf32>
    %get3A_53 = arith.constant 0 : index
    %get3A_54 = arith.constant 0 : index
    %get3A_55 = vector.load %arg11[%get3A_53, %get3A_54] : memref<1x64xf32, #tpu.memory_space<vmem>>, vector<1x64xf32>
    %add3A_56 = vector.broadcast %get3A_55 : vector<1x64xf32> to vector<1000x64xf32>
    %add3A_57 = arith.addf %dot_general3A_52, %add3A_56 : vector<1000x64xf32>
    %add3A_58 = arith.addf %add3A_47, %add3A_57 : vector<1000x64xf32>
    %mul3A_59 = arith.constant 2.000000e-01 : f32
    %mul3A_60 = vector.broadcast %mul3A_59 : f32 to vector<1000x64xf32>
    %mul3A_61 = arith.mulf %mul3A_60, %add3A_58 : vector<1000x64xf32>
    %max3A_62 = arith.maximumf %add3A_58, %mul3A_61 : vector<1000x64xf32>
    %get3A_63 = arith.constant 0 : index
    %get3A_64 = arith.constant 0 : index
    %get3A_65 = vector.load %arg12[%get3A_63, %get3A_64] : memref<1x64xf32, #tpu.memory_space<vmem>>, vector<1x64xf32>
    %mul3A_66 = vector.broadcast %get3A_65 : vector<1x64xf32> to vector<1000x64xf32>
    %mul3A_67 = arith.mulf %max3A_62, %mul3A_66 : vector<1000x64xf32>
    %get3A_68 = arith.constant 0 : index
    %get3A_69 = arith.constant 0 : index
    %get3A_70 = vector.load %arg13[%get3A_68, %get3A_69] : memref<64x8xf32, #tpu.memory_space<vmem>>, vector<64x8xf32>
    %dot_general3A_71 = arith.constant dense<0.000000e+00> : vector<1000x8xf32>
    %dot_general3A_72 = tpu.matmul %mul3A_67, %get3A_70, %dot_general3A_71 {dimension_numbers = #tpu.dot_dimension_numbers<[1], [0], [0], [1], [0, 0, 1, 1], [], []>, transpose_lhs_hint = false} : vector<1000x64xf32>, vector<64x8xf32>, vector<1000x8xf32> -> vector<1000x8xf32>
    %swap3A = arith.constant 0 : index
    %swap3A_73 = arith.constant 0 : index
    %swap3A_74 = vector.load %arg16[%swap3A, %swap3A_73] : memref<1000x8xf32, #tpu.memory_space<vmem>>, vector<1000x8xf32>
    tpu.vector_store %arg16[%swap3A, %swap3A_73], %dot_general3A_72 {strides = array<i32>} : memref<1000x8xf32, #tpu.memory_space<vmem>>, vector<1000x8xf32>,
    %swap3A_75 = arith.constant 0 : index
    %swap3A_76 = arith.constant 0 : index
    %swap3A_77 = vector.load %arg14[%swap3A_75, %swap3A_76] : memref<1000x64xf32, #tpu.memory_space<vmem>>, vector<1000x64xf32>
    tpu.vector_store %arg14[%swap3A_75, %swap3A_76], %add3A_47 {strides = array<i32>} : memref<1000x64xf32, #tpu.memory_space<vmem>>, vector<1000x64xf32>,
    %swap3A_78 = arith.constant 0 : index
    %swap3A_79 = arith.constant 0 : index
    %swap3A_80 = vector.load %arg15[%swap3A_78, %swap3A_79] : memref<1000x64xf32, #tpu.memory_space<vmem>>, vector<1000x64xf32>
    tpu.vector_store %arg15[%swap3A_78, %swap3A_79], %add3A_57 {strides = array<i32>} : memref<1000x64xf32, #tpu.memory_space<vmem>>, vector<1000x64xf32>,
    return
  }
  func.func @transform_0(%arg0: i32) -> (i32, i32, i32) {
    %c0_i32 = arith.constant 0 : i32
    %c0_i32_0 = arith.constant 0 : i32
    %c0_i32_1 = arith.constant 0 : i32
    return %c0_i32, %arg0, %c0_i32_0 : i32, i32, i32
  }
  func.func @transform_1(%arg0: i32) -> (i32, i32) {
    %c0_i32 = arith.constant 0 : i32
    %c0_i32_0 = arith.constant 0 : i32
    return %arg0, %c0_i32 : i32, i32
  }
  func.func @transform_2(%arg0: i32) -> (i32, i32) {
    %c0_i32 = arith.constant 0 : i32
    %c0_i32_0 = arith.constant 0 : i32
    return %arg0, %c0_i32 : i32, i32
  }
  func.func @transform_3(%arg0: i32) -> (i32, i32) {
    %c0_i32 = arith.constant 0 : i32
    %c0_i32_0 = arith.constant 0 : i32
    %c0_i32_1 = arith.constant 0 : i32
    return %c0_i32, %c0_i32_0 : i32, i32
  }
  func.func @transform_4(%arg0: i32) -> (i32, i32) {
    %c0_i32 = arith.constant 0 : i32
    %c0_i32_0 = arith.constant 0 : i32
    %c0_i32_1 = arith.constant 0 : i32
    return %c0_i32, %c0_i32_0 : i32, i32
  }
  func.func @transform_5(%arg0: i32) -> (i32, i32) {
    %c0_i32 = arith.constant 0 : i32
    %c0_i32_0 = arith.constant 0 : i32
    %c0_i32_1 = arith.constant 0 : i32
    return %c0_i32, %c0_i32_0 : i32, i32
  }
  func.func @transform_6(%arg0: i32) -> (i32, i32) {
    %c0_i32 = arith.constant 0 : i32
    %c0_i32_0 = arith.constant 0 : i32
    %c0_i32_1 = arith.constant 0 : i32
    return %c0_i32, %c0_i32_0 : i32, i32
  }
  func.func @transform_7(%arg0: i32) -> (i32, i32) {
    %c0_i32 = arith.constant 0 : i32
    %c0_i32_0 = arith.constant 0 : i32
    %c0_i32_1 = arith.constant 0 : i32
    return %c0_i32, %c0_i32_0 : i32, i32
  }
  func.func @transform_8(%arg0: i32) -> (i32, i32) {
    %c0_i32 = arith.constant 0 : i32
    %c0_i32_0 = arith.constant 0 : i32
    %c0_i32_1 = arith.constant 0 : i32
    return %c0_i32, %c0_i32_0 : i32, i32
  }
  func.func @transform_9(%arg0: i32) -> (i32, i32) {
    %c0_i32 = arith.constant 0 : i32
    %c0_i32_0 = arith.constant 0 : i32
    %c0_i32_1 = arith.constant 0 : i32
    return %c0_i32, %c0_i32_0 : i32, i32
  }
  func.func @transform_10(%arg0: i32) -> (i32, i32) {
    %c0_i32 = arith.constant 0 : i32
    %c0_i32_0 = arith.constant 0 : i32
    %c0_i32_1 = arith.constant 0 : i32
    return %c0_i32, %c0_i32_0 : i32, i32
  }
  func.func @transform_11(%arg0: i32) -> (i32, i32) {
    %c0_i32 = arith.constant 0 : i32
    %c0_i32_0 = arith.constant 0 : i32
    %c0_i32_1 = arith.constant 0 : i32
    return %c0_i32, %c0_i32_0 : i32, i32
  }
  func.func @transform_12(%arg0: i32) -> (i32, i32) {
    %c0_i32 = arith.constant 0 : i32
    %c0_i32_0 = arith.constant 0 : i32
    %c0_i32_1 = arith.constant 0 : i32
    return %c0_i32, %c0_i32_0 : i32, i32
  }
  func.func @transform_13(%arg0: i32) -> (i32, i32) {
    %c0_i32 = arith.constant 0 : i32
    %c0_i32_0 = arith.constant 0 : i32
    return %arg0, %c0_i32 : i32, i32
  }
  func.func @transform_14(%arg0: i32) -> (i32, i32) {
    %c0_i32 = arith.constant 0 : i32
    %c0_i32_0 = arith.constant 0 : i32
    return %arg0, %c0_i32 : i32, i32
  }
  func.func @transform_15(%arg0: i32) -> (i32, i32) {
    %c0_i32 = arith.constant 0 : i32
    %c0_i32_0 = arith.constant 0 : i32
    return %arg0, %c0_i32 : i32, i32
  }
}

module attributes {stable_mosaic.version = 14 : i64} {
  func.func @_epi2_body(%arg0: i32, %arg1: memref<2x1000x80xf32, #tpu.memory_space<vmem>>, %arg2: memref<1000x64xf32, #tpu.memory_space<vmem>>, %arg3: memref<1000x8xf32, #tpu.memory_space<vmem>>, %arg4: memref<80x64xf32, #tpu.memory_space<vmem>>, %arg5: memref<80x64xf32, #tpu.memory_space<vmem>>, %arg6: memref<8x64xf32, #tpu.memory_space<vmem>>, %arg7: memref<1x64xf32, #tpu.memory_space<vmem>>, %arg8: memref<1000x64xf32, #tpu.memory_space<vmem>>) attributes {dimension_semantics = [#tpu.dimension_semantics<arbitrary>], iteration_bounds = array<i64: 10>, scalar_prefetch = 0 : i64, scratch_operands = 0 : i64, tpu.core_type = #tpu.core_type<tc>, window_params = [{transform_indices = @transform_0, window_bounds = array<i64: 2, 1000, 80>}, {transform_indices = @transform_1, window_bounds = array<i64: 1000, 64>}, {transform_indices = @transform_2, window_bounds = array<i64: 1000, 8>}, {pipeline_mode = #tpu.pipeline_mode<synchronous>, transform_indices = @transform_3, window_bounds = array<i64: 80, 64>}, {pipeline_mode = #tpu.pipeline_mode<synchronous>, transform_indices = @transform_4, window_bounds = array<i64: 80, 64>}, {pipeline_mode = #tpu.pipeline_mode<synchronous>, transform_indices = @transform_5, window_bounds = array<i64: 8, 64>}, {pipeline_mode = #tpu.pipeline_mode<synchronous>, transform_indices = @transform_6, window_bounds = array<i64: 1, 64>}, {transform_indices = @transform_7, window_bounds = array<i64: 1000, 64>}]} {
    %get3A = arith.constant 0 : index
    %get3A_0 = arith.constant 0 : index
    %get3A_1 = arith.constant 0 : index
    %get3A_2 = vector.load %arg1[%get3A, %get3A_0, %get3A_1] : memref<2x1000x80xf32, #tpu.memory_space<vmem>>, vector<1x1000x80xf32>
    %get3A_3 = vector.shape_cast %get3A_2 : vector<1x1000x80xf32> to vector<1000x80xf32>
    %get3A_4 = arith.constant 1 : index
    %get3A_5 = arith.constant 0 : index
    %get3A_6 = arith.constant 0 : index
    %get3A_7 = vector.load %arg1[%get3A_4, %get3A_5, %get3A_6] : memref<2x1000x80xf32, #tpu.memory_space<vmem>>, vector<1x1000x80xf32>
    %get3A_8 = vector.shape_cast %get3A_7 : vector<1x1000x80xf32> to vector<1000x80xf32>
    %add3A = arith.addf %get3A_3, %get3A_8 : vector<1000x80xf32>
    %get3A_9 = arith.constant 0 : index
    %get3A_10 = arith.constant 0 : index
    %get3A_11 = vector.load %arg3[%get3A_9, %get3A_10] : memref<1000x8xf32, #tpu.memory_space<vmem>>, vector<1000x8xf32>
    %exp3A = math.exp %get3A_11 : vector<1000x8xf32>
    %get3A_12 = arith.constant 0 : index
    %get3A_13 = arith.constant 0 : index
    %get3A_14 = vector.load %arg6[%get3A_12, %get3A_13] : memref<8x64xf32, #tpu.memory_space<vmem>>, vector<8x64xf32>
    %dot_general3A = arith.constant dense<0.000000e+00> : vector<1000x64xf32>
    %dot_general3A_15 = tpu.matmul %exp3A, %get3A_14, %dot_general3A {dimension_numbers = #tpu.dot_dimension_numbers<[1], [0], [0], [1], [0, 0, 1, 1], [], []>, transpose_lhs_hint = false} : vector<1000x8xf32>, vector<8x64xf32>, vector<1000x64xf32> -> vector<1000x64xf32>
    %get3A_16 = arith.constant 0 : index
    %get3A_17 = arith.constant 0 : index
    %get3A_18 = vector.load %arg4[%get3A_16, %get3A_17] : memref<80x64xf32, #tpu.memory_space<vmem>>, vector<80x64xf32>
    %dot_general3A_19 = arith.constant dense<0.000000e+00> : vector<1000x64xf32>
    %dot_general3A_20 = tpu.matmul %add3A, %get3A_18, %dot_general3A_19 {dimension_numbers = #tpu.dot_dimension_numbers<[1], [0], [0], [1], [0, 0, 1, 1], [], []>, transpose_lhs_hint = false} : vector<1000x80xf32>, vector<80x64xf32>, vector<1000x64xf32> -> vector<1000x64xf32>
    %get3A_21 = arith.constant 0 : index
    %get3A_22 = arith.constant 0 : index
    %get3A_23 = vector.load %arg2[%get3A_21, %get3A_22] : memref<1000x64xf32, #tpu.memory_space<vmem>>, vector<1000x64xf32>
    %mul3A = arith.mulf %dot_general3A_15, %get3A_23 : vector<1000x64xf32>
    %add3A_24 = arith.addf %dot_general3A_20, %mul3A : vector<1000x64xf32>
    %get3A_25 = arith.constant 0 : index
    %get3A_26 = arith.constant 0 : index
    %get3A_27 = vector.load %arg5[%get3A_25, %get3A_26] : memref<80x64xf32, #tpu.memory_space<vmem>>, vector<80x64xf32>
    %dot_general3A_28 = arith.constant dense<0.000000e+00> : vector<1000x64xf32>
    %dot_general3A_29 = tpu.matmul %add3A, %get3A_27, %dot_general3A_28 {dimension_numbers = #tpu.dot_dimension_numbers<[1], [0], [0], [1], [0, 0, 1, 1], [], []>, transpose_lhs_hint = false} : vector<1000x80xf32>, vector<80x64xf32>, vector<1000x64xf32> -> vector<1000x64xf32>
    %add3A_30 = arith.addf %dot_general3A_29, %dot_general3A_15 : vector<1000x64xf32>
    %div3A = arith.divf %add3A_24, %add3A_30 : vector<1000x64xf32>
    %get3A_31 = arith.constant 0 : index
    %get3A_32 = arith.constant 0 : index
    %get3A_33 = vector.load %arg7[%get3A_31, %get3A_32] : memref<1x64xf32, #tpu.memory_space<vmem>>, vector<1x64xf32>
    %add3A_34 = vector.broadcast %get3A_33 : vector<1x64xf32> to vector<1000x64xf32>
    %add3A_35 = arith.addf %div3A, %add3A_34 : vector<1000x64xf32>
    %swap3A = arith.constant 0 : index
    %swap3A_36 = arith.constant 0 : index
    %swap3A_37 = vector.load %arg8[%swap3A, %swap3A_36] : memref<1000x64xf32, #tpu.memory_space<vmem>>, vector<1000x64xf32>
    tpu.vector_store %arg8[%swap3A, %swap3A_36], %add3A_35 {strides = array<i32>} : memref<1000x64xf32, #tpu.memory_space<vmem>>, vector<1000x64xf32>,
    return
  }
  func.func @transform_0(%arg0: i32) -> (i32, i32, i32) {
    %c0_i32 = arith.constant 0 : i32
    %c0_i32_0 = arith.constant 0 : i32
    %c0_i32_1 = arith.constant 0 : i32
    return %c0_i32, %arg0, %c0_i32_0 : i32, i32, i32
  }
  func.func @transform_1(%arg0: i32) -> (i32, i32) {
    %c0_i32 = arith.constant 0 : i32
    %c0_i32_0 = arith.constant 0 : i32
    return %arg0, %c0_i32 : i32, i32
  }
  func.func @transform_2(%arg0: i32) -> (i32, i32) {
    %c0_i32 = arith.constant 0 : i32
    %c0_i32_0 = arith.constant 0 : i32
    return %arg0, %c0_i32 : i32, i32
  }
  func.func @transform_3(%arg0: i32) -> (i32, i32) {
    %c0_i32 = arith.constant 0 : i32
    %c0_i32_0 = arith.constant 0 : i32
    %c0_i32_1 = arith.constant 0 : i32
    return %c0_i32, %c0_i32_0 : i32, i32
  }
  func.func @transform_4(%arg0: i32) -> (i32, i32) {
    %c0_i32 = arith.constant 0 : i32
    %c0_i32_0 = arith.constant 0 : i32
    %c0_i32_1 = arith.constant 0 : i32
    return %c0_i32, %c0_i32_0 : i32, i32
  }
  func.func @transform_5(%arg0: i32) -> (i32, i32) {
    %c0_i32 = arith.constant 0 : i32
    %c0_i32_0 = arith.constant 0 : i32
    %c0_i32_1 = arith.constant 0 : i32
    return %c0_i32, %c0_i32_0 : i32, i32
  }
  func.func @transform_6(%arg0: i32) -> (i32, i32) {
    %c0_i32 = arith.constant 0 : i32
    %c0_i32_0 = arith.constant 0 : i32
    %c0_i32_1 = arith.constant 0 : i32
    return %c0_i32, %c0_i32_0 : i32, i32
  }
  func.func @transform_7(%arg0: i32) -> (i32, i32) {
    %c0_i32 = arith.constant 0 : i32
    %c0_i32_0 = arith.constant 0 : i32
    return %arg0, %c0_i32 : i32, i32
  }
}

</mosaic_0001>

<sc_bundles>
// kernel: kernel.10.cloned.1.call-start
scs
__scs_entry_jumppad:
0x0: {  	(pc) =	sbr.rel $0x88, $3  }
0x1: {  	(tag) =	ssettag $0x0;
	lr =	simm.s32 $0x1  }
0x2: {  	[smem:$0x3F8D] =	sst lr;
	_ =	strace $0xD0000000  }
0x3: {  	_ = 	snop  }
0x4: {  	_ = 	snop  }
0x5: {  	_ = 	snop  }
0x6: {  	_ = 	snop  }
0x7: {  	_ = 	snop  }
__scs_overlays_trampoline_lowered:
0x8: {  	[smem:$0x3F9C] =	sst s0  }
0x9: {  	[smem:$0x3F9D] =	sst s1  }
0xa: {  	[smem:$0x3F9E] =	sst s2  }
0xb: {  	[smem:$0x3F9F] =	sst s3  }
0xc: {  	[smem:$0x3FA0] =	sst s4  }
0xd: {  	[smem:$0x3FA1] =	sst s5  }
0xe: {  	[smem:$0x3FA2] =	sst s6  }
0xf: {  	[smem:$0x3FA3] =	sst s7  }
0x10: {  	[smem:$0x3FA4] =	sst s8  }
0x11: {  	[smem:$0x3FA5] =	sst s9;
	s0 =	simm.s32 @!p0 $0x0  }
0x12: {  	s1 =	sld [smem:$0x3F8B];
	s0 =	simm.s32 @p0 $0x1  }
0x13: {  	[smem:$0x3FA6] =	sst s0;
	s0 =	simm.s32 @!p1 $0x0  }
0x14: {  	s2 =	sld [smem:$0x3F8A];
	s0 =	simm.s32 @p1 $0x1  }
0x15: {  	[smem:$0x3FA7] =	sst s0;
	s0 =	simm.s32 @!p2 $0x0  }
0x16: {  	s3 =	sld [smem:$0x3FDB];
	s0 =	simm.s32 @p2 $0x1  }
0x17: {  	s4 =	simm.s32 $0x1BF5;
	[smem:$0x3FA9] =	sst s0  }
0x18: {  	s0 =	sld [smem:$0x3F8C];
	_ =	swait.ge [sflag:s4], $0x0  }
0x19: {  	s7 =	sld [smem:$0x3F8D]  }
0x1a: {  	s8 =	sadd.s32 $0xFFFFE003, lr  }
0x1b: {  	s9 =	sadd.s32 $0xFFFFFEF7, lr;
	s5 =	simm.s32 $0xFFFFFFFF;
	p2 =	slt.u32 s8, $0xFFFFF086  }
0x1c: {  	p1 =	slt.u32 s9, $0xF7A;
	s5 =	simm.s32 @!p2 $0x0  }
0x1d: {  	s5 =	simm.s32 @p1 $0x1;
	p0 =	seq.s32 s7, s2  }
0x1e: {  	s7 =	smul.u32 @!p0 $0xF7A, s2;
	p2 =	seq.s32 @!p0 s5, $0x0  }
0x1f: {  	s9 =	smul.u32 $0xF7A, s1;
	s8 =	simm.s32 @!p0 $0x1BF5;
	p2 =	por !p2, p0  }
0x20: {  	[sflag:s8] =	ssyncset.s32 @!p0 $0xFFFFF086;
	s6 =	sadd.s32 @!p0 s3, s7;
	s7 =	simm.s32 @!p0 $0x108  }
0x21: {  	s3 =	sadd.s32 s3, s9;
	s6 =	sadd.s32 @!p0 $0x88, s6;
	s7 =	simm.s32 @p2 $0x1082  }
0x22: {  	[simem:s7], [sflag:s8] =	dma.local @!p0 [hbm:s6], $0xF7A  }
0x23: {  	s9 =	sor.u32 $0xD0000000, s2;
	s6 =	simm.s32 $0x108;
	_ =	swait.ge @!p0 [sflag:s8], $0x0  }
0x24: {  	s3 =	sadd.s32 $0x88, s3;
	s6 =	simm.s32 @!p1 $0x1082;
	[sflag:s4] =	ssyncset.s32 $0xFFFFF086  }
0x25: {  	[simem:s6], [sflag:s4] =	dma.local [hbm:s3], $0xF7A  }
0x26: {  	[smem:$0x3F8D] =	sst s1;
	(tag) =	ssettag s2;
	_ =	strace s9  }
0x27: {  	s1 =	sld [smem:$0x3F9D]  }
0x28: {  	s2 =	sld [smem:$0x3F9E]  }
0x29: {  	s4 =	sld [smem:$0x3FA0]  }
0x2a: {  	p0 =	seq.s32 s5, $0x0;
	s5 =	sld [smem:$0x3FA1]  }
0x2b: {  	s6 =	sld [smem:$0x3FA2]  }
0x2c: {  	s7 =	sld [smem:$0x3FA3]  }
0x2d: {  	s3 =	simm.s32 $0x108;
	s8 =	sld [smem:$0x3FA4]  }
0x2e: {  	s3 =	simm.s32 @!p0 $0x1082;
	s9 =	sld [smem:$0x3FA5]  }
0x2f: {  	lr =	sadd.s32 s0, s3;
	s0 =	sld [smem:$0x3F9C]  }
0x30: {  	s3 =	sld [smem:$0x3F9F]  }
0x31: {  	[smem:$0x3FA8] =	sst s10  }
0x32: {  	s10 =	sld [smem:$0x3FA6];
	_ =	sdelay $0x3  }
0x33: {  	p0 =	seq.s32 s10, $0x1;
	s10 =	sld [smem:$0x3FA8];
	_ =	sdelay $0x3  }
0x34: {  	[smem:$0x3FA8] =	sst s10  }
0x35: {  	s10 =	sld [smem:$0x3FA7];
	_ =	sdelay $0x3  }
0x36: {  	p1 =	seq.s32 s10, $0x1;
	s10 =	sld [smem:$0x3FA8];
	_ =	sdelay $0x3  }
0x37: {  	[smem:$0x3FA8] =	sst s10  }
0x38: {  	s10 =	sld [smem:$0x3FA9]  }
0x39: {  	_ = 	snop;
	(pc) =	sbr.ind lr, $3  }
0x3a: {  	_ = 	snop  }
0x3b: {  	_ = 	snop  }
0x3c: {  	p2 =	seq.s32 s10, $0x1;
	s10 =	sld [smem:$0x3FA8]  }
0x3d: {  	_ =	shalt  }
0x3e: {  	_ =	shalt  }
0x3f: {  	_ =	shalt  }
0x40: {  	_ =	shalt  }
0x41: {  	_ =	shalt  }
0x42: {  	_ =	shalt  }
0x43: {  	_ =	shalt  }
0x44: {  	_ =	shalt  }
0x45: {  	_ =	shalt  }
0x46: {  	_ =	shalt  }
0x47: {  	_ =	shalt  }
0x48: {  	_ =	shalt  }
0x49: {  	_ =	shalt  }
0x4a: {  	_ =	shalt  }
0x4b: {  	_ =	shalt  }
0x4c: {  	_ =	shalt  }
0x4d: {  	_ =	shalt  }
0x4e: {  	_ =	shalt  }
0x4f: {  	_ =	shalt  }
0x50: {  	_ =	shalt  }
0x51: {  	_ =	shalt  }
0x52: {  	_ =	shalt  }
0x53: {  	_ =	shalt  }
0x54: {  	_ =	shalt  }
0x55: {  	_ =	shalt  }
0x56: {  	_ =	shalt  }
0x57: {  	_ =	shalt  }
0x58: {  	_ =	shalt  }
0x59: {  	_ =	shalt  }
0x5a: {  	_ =	shalt  }
0x5b: {  	_ =	shalt  }
0x5c: {  	_ =	shalt  }
0x5d: {  	_ =	shalt  }
0x5e: {  	_ =	shalt  }
0x5f: {  	_ =	shalt  }
0x60: {  	_ =	shalt  }
0x61: {  	_ =	shalt  }
0x62: {  	_ =	shalt  }
0x63: {  	_ =	shalt  }
0x64: {  	_ =	shalt  }
0x65: {  	_ =	shalt  }
0x66: {  	_ =	shalt  }
0x67: {  	_ =	shalt  }
0x68: {  	_ =	shalt  }
0x69: {  	_ =	shalt  }
0x6a: {  	_ =	shalt  }
0x6b: {  	_ =	shalt  }
0x6c: {  	_ =	shalt  }
0x6d: {  	_ =	shalt  }
0x6e: {  	_ =	shalt  }
0x6f: {  	_ =	shalt  }
0x70: {  	_ =	shalt  }
0x71: {  	_ =	shalt  }
0x72: {  	_ =	shalt  }
0x73: {  	_ =	shalt  }
0x74: {  	_ =	shalt  }
0x75: {  	_ =	shalt  }
0x76: {  	_ =	shalt  }
0x77: {  	_ =	shalt  }
0x78: {  	_ =	shalt  }
0x79: {  	_ =	shalt  }
0x7a: {  	_ =	shalt  }
0x7b: {  	_ =	shalt  }
0x7c: {  	_ =	shalt  }
0x7d: {  	_ =	shalt  }
0x7e: {  	_ =	shalt  }
0x7f: {  	_ =	shalt  }
0x80: {  	_ =	shalt  }
0x81: {  	_ =	shalt  }
0x82: {  	_ =	shalt  }
0x83: {  	_ =	shalt  }
0x84: {  	_ =	shalt  }
0x85: {  	_ =	shalt  }
0x86: {  	_ =	shalt  }
0x87: {  	_ =	shalt  }
.Lfunc_end0:
.L_simem_size_0:
called_computation.1_lowered:
.L_overlay_start_0:
0x88: {  	s2 =	sld [smem:$0x3FD9]  }
0x89: {  	s3 =	sld [smem:$0x3FFE];
	_ =	sdelay $0x1  }
0x8a: {  	s1 =	srdreg.scid  }
0x8b: {  	s0 =	sand.u32 $0x1, s1  }
0x8c: {  	s14 =	sshll.u32 s0, $0xA;
	s2 =	sadd.s32 s3, s2  }
0x8d: {  	s2 =	sadd.s32 s2, s14  }
0x8e: {  	[smem:$0x3FB4] =	sst s2  }
0x8f: {  	_ = 	snop  }
0x90: {  	s2 =	sld [smem:$0x3FD0];
	_ =	sdelay $0x2  }
0x91: {  	s15 =	simm.s32 $0xA;
	s4 =	simm.s32 $0x10  }
0x92: {  	[smem:s4], [sflag:s15] =	dma.local [hbm:s2], $0x1  }
0x93: {  	_ =	swait.eq [sflag:s15], $0x1  }
0x94: {  	[sflag:s15] =	ssyncset.done $0x0  }
0x95: {  	s16 =	sld [smem:$0x10];
	[sflag:s15] =	ssyncadd.s32 $0xFFFFFFFF  }
0x96: {  	s17 =	sld [smem:$0x11];
	(tm) =	ssettm $0x1  }
0x97: {  	s18 =	sld [smem:$0x3FFB];
	_ =	sdelay $0x3  }
0x98: {  	_ =	strace s18  }
0x99: {  	s4 =	sld [smem:$0x3FFC];
	_ =	sdelay $0x3  }
0x9a: {  	_ =	strace s4  }
0x9b: {  	s4 =	sld [smem:$0x3FFD];
	_ =	sdelay $0x3  }
0x9c: {  	_ =	strace s4  }
0x9d: {  	_ =	strace $0x8FFFFFFF  }
0x9e: {  	s19 =	sld [smem:$0x3FDB];
	_ =	sdelay $0x1  }
0x9f: {  	s5 =	simm.s32 $_scs_section_size  }
0xa0: {  	s6 =	simm.s32 $_size__tile_overlayer_lowered;
	s7 =	simm.s32 $_tile_overlayer_lowered  }
0xa1: {  	s22 =	simm.s32 $0x1BFF;
	s21 =	sshll.u32 s7, $0x1;
	s4 =	sadd.s32 s5, s19  }
0xa2: {  	s8 =	simm.s32 $0x0;
	s20 =	sshll.u32 s6, $0x1;
	s6 =	sadd.s32 s21, s4  }
0xa3: {  	[timem:s8], [sflag:s22] =	dma.local [hbm:s6], s20  }
0xa4: {  	_ =	swait.ge [sflag:s22], s20  }
0xa5: {  	s5 =	ssub.s32 $0x0, s20;
	[sflag:s22] =	ssyncset.done $0x0  }
0xa6: {  	[sflag:s22] =	ssyncadd.s32 s5;
	_ =	sdelay $0x1  }
0xa7: {  	s23 =	simm.s32 $0x1B8B  }
0xa8: {  	_ =	swait.ge [sflag:s23], $0x1  }
0xa9: {  	[sflag:s23] =	ssyncset.done $0x0  }
0xaa: {  	s25 =	simm.s32 $0x1B8E;
	s24 =	sld [smem:$0x3FFE];
	[sflag:s23] =	ssyncadd.s32 $0xFFFFFFFF  }
0xab: {  	s26 =	simm.s32 $execute0_lowered;
	[smem:$0x3FD2] =	sst s25  }
0xac: {  	s6 =	sshll.u32 s26, $0x1;
	_ =	strace $0x80000049;
	[dreg:$0x1] =	wrdreg $0xFFFFFFFF  }
0xad: {  	s28 =	simm.s32 $_size_execute0_lowered;
	s4 =	sadd.s32 s4, s6;
	[dreg:$0x0] =	wrdreg $0x0  }
0xae: {  	s6 =	sshll.u32 s28, $0x1;
	[dreg:$0x2] =	wrdreg s4  }
0xaf: {  	[dreg:$0x3] =	wrdreg s6  }
0xb0: {  	[dreg:$0x4] =	wrdreg $0xC0  }
0xb1: {  	_ =	task [dreg:s8], $0x5FFFF  }
0xb2: {  	[dreg:$0x1] =	wrdreg $0xFFFFFFFF  }
0xb3: {  	[dreg:$0x0] =	wrdreg $0x60  }
0xb4: {  	[dreg:$0x2] =	wrdreg s16  }
0xb5: {  	[dreg:$0x3] =	wrdreg s17  }
0xb6: {  	[dreg:$0x4] =	wrdreg s24  }
0xb7: {  	[dreg:$0x5] =	wrdreg $0x41E00  }
0xb8: {  	[dreg:$0x6] =	wrdreg $0x9  }
0xb9: {  	_ =	task.clear_ibuf [dreg:s8], $0x7FFFF;
	_ =	strace $0x90000049  }
0xba: {  	s29 =	simm.s32 $0x9;
	_ =	strace $0x8000004B  }
0xbb: {  	_ =	swait.ge [sflag:s29], $0x1  }
0xbc: {  	[sflag:s29] =	ssyncadd.s32 $0xFFFFFFFF  }
0xbd: {  	_ =	strace $0x9000004B  }
0xbe: {  	_ =	sfence  }
0xbf: {  	s30 =	sld [smem:$0x0];
	_ =	sdelay $0x2  }
0xc0: {  	s31 =	sshll.u32 s1, $0xD;
	s1 =	sshrl.u32 s1, $0x2  }
0xc1: {  	s3 =	sand.u32 $0x4000, s31;
	s1 =	sadd.s32 s1, s30  }
0xc2: {  	s0 =	sor.u32 s3, s0;
	s1 =	sshll.u32 s1, $0x11  }
0xc3: {  	s0 =	sor.u32 s1, s0  }
0xc4: {  	s0 =	sadd.s32 $0x8F2B, s0  }
0xc5: {  	[sflag:s0] =	ssyncadd.remote.s32 $0x1  }
0xc6: {  	_ =	sfence.sel $0xFFFF  }
0xc7: {  	[dreg:$0x0] =	wrdreg $0xFFFFFFFF;
	(pc) =	sbr.abs _section_cstart, $3  }
0xc8: {  	[dreg:$0x1] =	wrdreg $0xFFFFFFFF  }
0xc9: {  	_ =	task.clear_ibuf [dreg:s8], $0x2FFFF;
	_ =	strace $0x9FFFFFFF  }
0xca: {  	(tm) =	ssettm $0x7FFFFFFF  }
0xcb: {  	_ =	shalt  }
tec
execute0_lowered:
.L_overlay_start_1:
0x0: {  	(tag) =	ssettag $0x1  }
0x1: {  	s1 =	rddreg [dreg:$0x0]  }
0x2: {  	s2 =	rddreg [dreg:$0x1]  }
0x3: {  	s10 =	rddreg [dreg:$0x2]  }
0x4: {  	s4 =	rddreg [dreg:$0x3]  }
0x5: {  	s0 =	rddreg [dreg:$0x4]  }
0x6: {  	s6 =	srdreg.scid;
	s3 =	stileid.u32  }
0x7: {  	s5 =	simm.s32 $0x0;
	s17 =	simm.s32 $0x50;
	s18 =	simm.s32 $0xA0  }
0x8: {  	s19 =	simm.s32 $0x14A0;
	s20 =	simm.s32 $0x1;
	s21 =	simm.s32 $0x28A0  }
0x9: {  	s22 =	simm.s32 $0x0;
	s11 =	sand.u32 $0x1, s6;
	s12 =	smul.u32 $0xC580, s3  }
0xa: {  	[smem:$0x7FF] =	sst s5;
	s6 =	sadd.s32 $0x53E00, s10;
	s7 =	sadd.s32 $0x67800, s10  }
0xb: {  	s31 =	sshll.u32 s3, $0x1;
	s15 =	sshll.u32 s3, $0x6;
	s8 =	smul.u32 $0xC5800, s11  }
0xc: {  	_ =	strace $0x8000004A;
	s14 =	ssub.s32 $0x2, s11;
	s11 =	sor.u32 s11, s31  }
0xd: {  	s30 =	sshrl.u32 s14, $0x1;
	s16 =	sadd.s32 s12, s4;
	s9 =	sadd.s32 s12, s8  }
0xe: {  	s11 =	smul.u32 $0x2710, s11;
	s8 =	sadd.s32 $0x85400, s10;
	s13 =	sshrl.u32 s9, $0x3  }
0xf: {  	s14 =	ssub.s32 s14, s30;
	s9 =	sadd.s32 $0x52400, s10;
	s13 =	sadd.s32 s13, s10  }
0x10: {  	s10 =	sor.u32 $0x1C02, s15;
	s15 =	simm.s32 $0x2;
	s12 =	sadd.s32 $0x3C00, s13  }
0x11: {  	vm0 =	vmmov $0x1;
	vm1 =	vcmask $0x308;
	s13 =	smax.u32 s14, $0x1;
	s14 =	sshrl.u32 s16, $0x3;
	s16 =	simm.s32 $0x41A0  }
.LBB2_1:
0x12: {  	[spmem:s14], [sflag:s10] =	dma.local [hbm:s9], $0x18B0  }
0x13: {  	_ =	swait.ge [sflag:s15], $0x18B0  }
0x14: {  	[sflag:s15] =	ssyncset.done $0x0  }
0x15: {  	[sflag:s15] =	ssyncadd.s32 $0xFFFFE750  }
0x16: {  	[tilespmem:s16], [sflag:$0x2] =	stream.linear.gather [hbm4b:s8+s5], $0x40, $0x38;
	[tilespmem:$0x10760] =	vst v63  }
0x17: {  	_ =	swait.ge [sflag:s15], $0x40  }
0x18: {  	[sflag:s15] =	ssyncset.done $0x0  }
0x19: {  	[sflag:s15] =	ssyncadd.s32 $0xFFFFFFC0  }
0x1a: {  	[bflag:$0x0] =	sbarrier.arrive $0xFFFF  }
0x1b: {  	v0 =	vld [tilespmem:$0x41A0]  }
0x1c: {  	v1 =	vld [tilespmem:$0x41B0]  }
0x1d: {  	v2 =	vld [tilespmem:$0x41C0]  }
0x1e: {  	s23 =	simm.s32 $0x0;
	v3 =	vld [tilespmem:$0x41D0]  }
.LBB2_2:
0x1f: {  	s24 =	smul.u32 $0x50, s23;
	_ =	sdelay $0x1  }
0x20: {  	s24 =	sadd.s32 s11, s24  }
0x21: {  	s24 =	sshrl.u32 s24, $0x3  }
0x22: {  	s25 =	sadd.s32 s1, s24  }
0x23: {  	[tilespmem:s5], [sflag:$0x2] =	stream.linear.gather [hbm4b:s25+s5], $0x50, $0x38;
	[tilespmem:$0x10760] =	vst v63  }
0x24: {  	_ =	swait.ge [sflag:s15], $0x50  }
0x25: {  	[sflag:s15] =	ssyncset.done $0x0  }
0x26: {  	s24 =	sadd.s32 s2, s24;
	[sflag:s15] =	ssyncadd.s32 $0xFFFFFFB0  }
0x27: {  	[tilespmem:s17], [sflag:$0x2] =	stream.linear.gather [hbm4b:s24+s5], $0x50, $0x38;
	[tilespmem:$0x10760] =	vst v63  }
0x28: {  	_ =	swait.ge [sflag:s15], $0x50  }
0x29: {  	[sflag:s15] =	ssyncset.done $0x0  }
0x2a: {  	[sflag:s15] =	ssyncadd.s32 $0xFFFFFFB0  }
0x2b: {  	[tilespmem:s18], [sflag:$0x1] =	stream.indirect.gather [hbm4b:s6+s17], $0x40, s5, s17, $0xb8;
	[tilespmem:$0x10760] =	vst v63  }
0x2c: {  	_ = 	snop  }
0x2d: {  	[tilespmem:s19], [sflag:$0x1] =	stream.indirect.gather [hbm4b:s7+s17], $0x40, s17, s17, $0xb8;
	[tilespmem:$0x10760] =	vst v63  }
0x2e: {  	_ =	swait.ge [sflag:s20], $0x1400  }
0x2f: {  	[sflag:s20] =	ssyncset.done $0x0  }
0x30: {  	[sflag:s20] =	ssyncadd.s32 $0xFFFFEC00  }
0x31: {  	_ =	swait.ge [sflag:s20], $0x1400  }
0x32: {  	s26 =	simm.s32 $0xE0;
	s28 =	simm.s32 $0x28F0;
	[sflag:s20] =	ssyncset.done $0x0  }
0x33: {  	s25 =	simm.s32 $0x14E0;
	s24 =	simm.s32 $0xFFFFFFFE;
	[sflag:s20] =	ssyncadd.s32 $0xFFFFEC00  }
.LBB2_3:
0x34: {  	v4 =	vld [tilespmem:s26+$0xFFFFFFC0]  }
0x35: {  	v5 =	vld [tilespmem:s25+$0xFFFFFFC0]  }
0x36: {  	v6 =	vld [tilespmem:s26+$0xFFFFFFD0]  }
0x37: {  	v7 =	vld [tilespmem:s25+$0xFFFFFFD0];
	_ =	sdelay $0x3  }
0x38: {  	v5 =	vadd.f32 v5, v4  }
0x39: {  	v7 =	vadd.f32 v7, v6  }
0x3a: {  	v8 =	vmul.f32 $2.000000030e-01, v5  }
0x3b: {  	v9 =	vmul.f32 $2.000000030e-01, v7  }
0x3c: {  	v5 =	vmax.f32 v5, v8  }
0x3d: {  	v7 =	vmax.f32 v7, v9;
	v5 =	vmul.f32 v5, v0  }
0x3e: {  	v7 =	vmul.f32 v7, v1  }
0x3f: {  	(xrf2) =	vadd.scan.msk.f32 $0xffff, v5  }
0x40: {  	(xrf2) =	vadd.scan.msk.f32 $0xffff, v7;
	_ =	sdelay $0x8  }
0x41: {  	v5, _, _ =	vpop (xrf2)  }
0x42: {  	(v2sf) =	vpush v5, $0xF;
	v5, _, _ =	vpop (xrf2)  }
0x43: {  	(v2sf) =	vpush v5, $0xF;
	_ =	sdelay $0xd  }
0x44: {  	s29 =	spop (v2sf)  }
0x45: {  	s30 =	spop (v2sf)  }
0x46: {  	s29 =	sadd.f32 s30, s29;
	_ =	sdelay $0x1  }
0x47: {  	v5 =	vmov s29  }
0x48: {  	v5 =	vmul.f32 $1.442695020e+00, v5;
	_ =	sdelay $0x1  }
0x49: {  	v5 =	vbroadcast v5, $0x0;
	_ =	sdelay $0x1  }
0x4a: {  	(erf) = vpow2.f32 v5;
	_ =	sdelay $0x8  }
0x4b: {  	v5 =	vpop (erf)  }
0x4c: {  	v4 =	vmul.f32 v5, v4  }
0x4d: {  	v6 =	vmul.f32 v5, v6  }
0x4e: {  	[tilespmem:s28+$0xFFFFFFB0] =	vst v4  }
0x4f: {  	[tilespmem:s28+$0xFFFFFFC0] =	vst v6  }
0x50: {  	v4 =	vld [tilespmem:s26+$0xFFFFFFE0]  }
0x51: {  	v6 =	vld [tilespmem:s25+$0xFFFFFFE0]  }
0x52: {  	v50 =	vld [tilespmem:s26+$0xFFFFFFF0]  }
0x53: {  	v51 =	vld [tilespmem:s25+$0xFFFFFFF0];
	_ =	sdelay $0x3  }
0x54: {  	v6 =	vadd.f32 v6, v4  }
0x55: {  	v8 =	vadd.f32 v51, v50  }
0x56: {  	v52 =	vmul.f32 $2.000000030e-01, v6  }
0x57: {  	v10 =	vmul.f32 $2.000000030e-01, v8  }
0x58: {  	v6 =	vmax.f32 v6, v52  }
0x59: {  	v8 =	vmax.f32 v8, v10;
	v6 =	vmul.f32 v6, v2  }
0x5a: {  	v8 =	vmul.f32 v8, v3  }
0x5b: {  	(xrf2) =	vadd.scan.msk.f32 $0xffff, v6  }
0x5c: {  	(xrf2) =	vadd.scan.msk.f32 $0xffff, v8;
	_ =	sdelay $0x8  }
0x5d: {  	v6, _, _ =	vpop (xrf2)  }
0x5e: {  	(v2sf) =	vpush v6, $0xF;
	v53, _, _ =	vpop (xrf2)  }
0x5f: {  	(v2sf) =	vpush v53, $0xF;
	_ =	sdelay $0xd  }
0x60: {  	s29 =	spop (v2sf)  }
0x61: {  	s31 =	spop (v2sf)  }
0x62: {  	s29 =	sadd.f32 s31, s29;
	_ =	sdelay $0x1  }
0x63: {  	v54 =	vmov s29  }
0x64: {  	v6 =	vmul.f32 $1.442695020e+00, v54;
	_ =	sdelay $0x1  }
0x65: {  	v6 =	vbroadcast v6, $0x0;
	_ =	sdelay $0x1  }
0x66: {  	(erf) = vpow2.f32 v6;
	_ =	sdelay $0x8  }
0x67: {  	v6 =	vpop (erf)  }
0x68: {  	v4 =	vmul.f32 v6, v4  }
0x69: {  	v7 =	vmul.f32 v6, v50  }
0x6a: {  	v5 =	vnsel vm0, $0x0, v5;
	[tilespmem:s28+$0xFFFFFFD0] =	vst v4  }
0x6b: {  	[tilespmem:s28+$0xFFFFFFE0] =	vst v7;
	v4 =	vsel vm1, v5, v6  }
0x6c: {  	[tilespmem:s28+$0xFFFFFFF0] =	vst v4  }
0x6d: {  	v4 =	vld [tilespmem:s26+$0x0]  }
0x6e: {  	v5 =	vld [tilespmem:s25+$0x0]  }
0x6f: {  	v55 =	vld [tilespmem:s26+$0x10]  }
0x70: {  	v7 =	vld [tilespmem:s25+$0x10];
	_ =	sdelay $0x3  }
0x71: {  	v5 =	vadd.f32 v5, v4  }
0x72: {  	v7 =	vadd.f32 v7, v55  }
0x73: {  	v56 =	vmul.f32 $2.000000030e-01, v5  }
0x74: {  	v57 =	vmul.f32 $2.000000030e-01, v7  }
0x75: {  	v5 =	vmax.f32 v5, v56  }
0x76: {  	v7 =	vmax.f32 v7, v57;
	v5 =	vmul.f32 v5, v0  }
0x77: {  	v7 =	vmul.f32 v7, v1  }
0x78: {  	(xrf2) =	vadd.scan.msk.f32 $0xffff, v5  }
0x79: {  	(xrf2) =	vadd.scan.msk.f32 $0xffff, v7;
	_ =	sdelay $0x8  }
0x7a: {  	v5, _, _ =	vpop (xrf2)  }
0x7b: {  	(v2sf) =	vpush v5, $0xF;
	v5, _, _ =	vpop (xrf2)  }
0x7c: {  	(v2sf) =	vpush v5, $0xF;
	_ =	sdelay $0xd  }
0x7d: {  	s29 =	spop (v2sf)  }
0x7e: {  	s31 =	spop (v2sf)  }
0x7f: {  	s29 =	sadd.f32 s31, s29;
	_ =	sdelay $0x1  }
0x80: {  	v5 =	vmov s29  }
0x81: {  	v5 =	vmul.f32 $1.442695020e+00, v5;
	_ =	sdelay $0x1  }
0x82: {  	v5 =	vbroadcast v5, $0x0;
	_ =	sdelay $0x1  }
0x83: {  	(erf) = vpow2.f32 v5;
	_ =	sdelay $0x8  }
0x84: {  	v5 =	vpop (erf)  }
0x85: {  	v4 =	vmul.f32 v5, v4  }
0x86: {  	v6 =	vmul.f32 v5, v55  }
0x87: {  	[tilespmem:s28+$0x0] =	vst v4  }
0x88: {  	[tilespmem:s28+$0x10] =	vst v6  }
0x89: {  	v4 =	vld [tilespmem:s26+$0x20]  }
0x8a: {  	v6 =	vld [tilespmem:s25+$0x20]  }
0x8b: {  	v58 =	vld [tilespmem:s26+$0x30]  }
0x8c: {  	v59 =	vld [tilespmem:s25+$0x30];
	_ =	sdelay $0x3  }
0x8d: {  	v6 =	vadd.f32 v6, v4  }
0x8e: {  	v8 =	vadd.f32 v59, v58  }
0x8f: {  	v60 =	vmul.f32 $2.000000030e-01, v6  }
0x90: {  	v61 =	vmul.f32 $2.000000030e-01, v8  }
0x91: {  	v6 =	vmax.f32 v6, v60  }
0x92: {  	v8 =	vmax.f32 v8, v61;
	v6 =	vmul.f32 v6, v2  }
0x93: {  	v8 =	vmul.f32 v8, v3  }
0x94: {  	(xrf2) =	vadd.scan.msk.f32 $0xffff, v6  }
0x95: {  	(xrf2) =	vadd.scan.msk.f32 $0xffff, v8;
	_ =	sdelay $0x8  }
0x96: {  	v6, _, _ =	vpop (xrf2)  }
0x97: {  	(v2sf) =	vpush v6, $0xF;
	v62, _, _ =	vpop (xrf2)  }
0x98: {  	(v2sf) =	vpush v62, $0xF;
	_ =	sdelay $0xd  }
0x99: {  	s29 =	spop (v2sf)  }
0x9a: {  	s31 =	spop (v2sf)  }
0x9b: {  	s29 =	sadd.f32 s31, s29;
	_ =	sdelay $0x1  }
0x9c: {  	v63 =	vmov s29  }
0x9d: {  	v6 =	vmul.f32 $1.442695020e+00, v63;
	_ =	sdelay $0x1  }
0x9e: {  	v6 =	vbroadcast v6, $0x0;
	_ =	sdelay $0x1  }
0x9f: {  	(erf) = vpow2.f32 v6;
	_ =	sdelay $0x7  }
0xa0: {  	s24 =	sadd.s32 $0x2, s24  }
0xa1: {  	p0 =	slt.u32 s24, $0x4E;
	v6 =	vpop (erf)  }
.Ltmp0:
0xa2: {  	v4 =	vmul.f32 v6, v4;
	(pc) =	sbr.rel @p0 .LBB2_3-.Ltmp0, $4  }
0xa3: {  	v7 =	vmul.f32 v6, v58  }
0xa4: {  	v5 =	vnsel vm0, $0x0, v5;
	[tilespmem:s28+$0x20] =	vst v4  }
0xa5: {  	[tilespmem:s28+$0x30] =	vst v7;
	v4 =	vsel vm1, v5, v6  }
0xa6: {  	s25 =	sadd.s32 $0x80, s25;
	s26 =	sadd.s32 $0x80, s26;
	[tilespmem:s28+$0x40] =	vst v4;
	s28 =	sadd.s32 $0xA0, s28  }
0xa7: {  	s23 =	sadd.s32 $0x1, s23  }
0xa8: {  	p0 =	sne.s32 s23, $0x7D  }
.Ltmp1:
0xa9: {  	_ = 	snop;
	(pc) =	sbr.rel @p0 .LBB2_2-.Ltmp1, $4  }
0xaa: {  	[spmem:s4] =	stream.indirect.scatter.add.f32 [tilespmem:s21], [sflag:$0x2], $0x50, s17, s17, $0xb8;
	[tilespmem:$0x10760] =	vst v63  }
0xab: {  	_ =	swait.ge [sflag:s15], $0x1900  }
0xac: {  	[sflag:s15] =	ssyncset.done $0x0  }
0xad: {  	[sflag:s15] =	ssyncadd.s32 $0xFFFFE700  }
0xae: {  	s22 =	sadd.s32 $0x1, s22  }
0xaf: {  	p0 =	sne.s32 s22, s13  }
.Ltmp2:
0xb0: {  	[bflag:$0x0] =	sbarrier.arrive $0xFFFF;
	(pc) =	sbr.rel @p0 .LBB2_1-.Ltmp2, $4  }
0xb1: {  	[hbm:s12], [sflag:s10] =	dma.local [spmem:s14], $0x18B0  }
0xb2: {  	_ =	swait.ge [sflag:s15], $0x18B0  }
0xb3: {  	[sflag:s15] =	ssyncset.done $0x0  }
0xb4: {  	[sflag:s15] =	ssyncadd.s32 $0xFFFFE750  }
0xb5: {  	_ =	sfence.sel $0x180000  }
0xb6: {  	[bflag:$0x0] =	sbarrier.arrive $0xFFFF  }
0xb7: {  	p0 =	sne.s32 s3, $0x0;
	_ =	strace $0x9000004A  }
0xb8: {  	s0 =	sadd.s32 @!p0 $0x100000, s0;
	[bflag:$0x2] =	sbarrier.arrive $0xFFFF  }
0xb9: {  	[sflag:s0] =	ssyncadd.tile.s32 @!p0 $0x1;
	_ =	shalt  }
.Lfunc_end2:
_tile_overlayer_lowered:
.L_overlay_start_2:
0xba: {  	(tag) =	ssettag $0x2  }
0xbb: {  	s0 =	rddreg [dreg:$0x0];
	s2 =	stileid.u32  }
0xbc: {  	s1 =	rddreg [dreg:$0x1];
	p0 =	sne.s32 s2, $0x0  }
0xbd: {  	s3 =	rddreg [dreg:$0x2];
	[bflag:$0x3] =	sbarrier.arrive $0xFFFF;
	s2 =	simm.s32 @!p0 $0x1C02  }
0xbe: {  	[timem:s3], [sflag:s2] =	dma.local @!p0 [hbm:s0], s1  }
0xbf: {  	s0 =	simm.s32 @!p0 $0x2  }
0xc0: {  	_ =	swait.ge @!p0 [sflag:s0], s1  }
0xc1: {  	s1 =	ssub.s32 @!p0 $0x0, s1;
	[sflag:s0] =	ssyncset.done @!p0 $0x0  }
0xc2: {  	[sflag:s0] =	ssyncadd.s32 @!p0 s1  }
0xc3: {  	[bflag:$0x3] =	sbarrier.arrive $0xFFFF  }
0xc4: {  	_ =	shalt  }

// kernel: kernel.7.cloned.1.call-start
scs
__scs_entry_jumppad:
0x0: {  	(pc) =	sbr.rel $0x88, $3  }
0x1: {  	(tag) =	ssettag $0x0;
	lr =	simm.s32 $0x1  }
0x2: {  	[smem:$0x3F8D] =	sst lr;
	_ =	strace $0xD0000000  }
0x3: {  	_ = 	snop  }
0x4: {  	_ = 	snop  }
0x5: {  	_ = 	snop  }
0x6: {  	_ = 	snop  }
0x7: {  	_ = 	snop  }
__scs_overlays_trampoline_lowered:
0x8: {  	[smem:$0x3F9C] =	sst s0  }
0x9: {  	[smem:$0x3F9D] =	sst s1  }
0xa: {  	[smem:$0x3F9E] =	sst s2  }
0xb: {  	[smem:$0x3F9F] =	sst s3  }
0xc: {  	[smem:$0x3FA0] =	sst s4  }
0xd: {  	[smem:$0x3FA1] =	sst s5  }
0xe: {  	[smem:$0x3FA2] =	sst s6  }
0xf: {  	[smem:$0x3FA3] =	sst s7  }
0x10: {  	[smem:$0x3FA4] =	sst s8  }
0x11: {  	[smem:$0x3FA5] =	sst s9;
	s0 =	simm.s32 @!p0 $0x0  }
0x12: {  	s1 =	sld [smem:$0x3F8B];
	s0 =	simm.s32 @p0 $0x1  }
0x13: {  	[smem:$0x3FA6] =	sst s0;
	s0 =	simm.s32 @!p1 $0x0  }
0x14: {  	s2 =	sld [smem:$0x3F8A];
	s0 =	simm.s32 @p1 $0x1  }
0x15: {  	[smem:$0x3FA7] =	sst s0;
	s0 =	simm.s32 @!p2 $0x0  }
0x16: {  	s3 =	sld [smem:$0x3FDB];
	s0 =	simm.s32 @p2 $0x1  }
0x17: {  	s4 =	simm.s32 $0x1BF5;
	[smem:$0x3FA9] =	sst s0  }
0x18: {  	s0 =	sld [smem:$0x3F8C];
	_ =	swait.ge [sflag:s4], $0x0  }
0x19: {  	s7 =	sld [smem:$0x3F8D]  }
0x1a: {  	s8 =	sadd.s32 $0xFFFFE003, lr  }
0x1b: {  	s9 =	sadd.s32 $0xFFFFFEF7, lr;
	s5 =	simm.s32 $0xFFFFFFFF;
	p2 =	slt.u32 s8, $0xFFFFF086  }
0x1c: {  	p1 =	slt.u32 s9, $0xF7A;
	s5 =	simm.s32 @!p2 $0x0  }
0x1d: {  	s5 =	simm.s32 @p1 $0x1;
	p0 =	seq.s32 s7, s2  }
0x1e: {  	s7 =	smul.u32 @!p0 $0xF7A, s2;
	p2 =	seq.s32 @!p0 s5, $0x0  }
0x1f: {  	s9 =	smul.u32 $0xF7A, s1;
	s8 =	simm.s32 @!p0 $0x1BF5;
	p2 =	por !p2, p0  }
0x20: {  	[sflag:s8] =	ssyncset.s32 @!p0 $0xFFFFF086;
	s6 =	sadd.s32 @!p0 s3, s7;
	s7 =	simm.s32 @!p0 $0x108  }
0x21: {  	s3 =	sadd.s32 s3, s9;
	s6 =	sadd.s32 @!p0 $0x88, s6;
	s7 =	simm.s32 @p2 $0x1082  }
0x22: {  	[simem:s7], [sflag:s8] =	dma.local @!p0 [hbm:s6], $0xF7A  }
0x23: {  	s9 =	sor.u32 $0xD0000000, s2;
	s6 =	simm.s32 $0x108;
	_ =	swait.ge @!p0 [sflag:s8], $0x0  }
0x24: {  	s3 =	sadd.s32 $0x88, s3;
	s6 =	simm.s32 @!p1 $0x1082;
	[sflag:s4] =	ssyncset.s32 $0xFFFFF086  }
0x25: {  	[simem:s6], [sflag:s4] =	dma.local [hbm:s3], $0xF7A  }
0x26: {  	[smem:$0x3F8D] =	sst s1;
	(tag) =	ssettag s2;
	_ =	strace s9  }
0x27: {  	s1 =	sld [smem:$0x3F9D]  }
0x28: {  	s2 =	sld [smem:$0x3F9E]  }
0x29: {  	s4 =	sld [smem:$0x3FA0]  }
0x2a: {  	p0 =	seq.s32 s5, $0x0;
	s5 =	sld [smem:$0x3FA1]  }
0x2b: {  	s6 =	sld [smem:$0x3FA2]  }
0x2c: {  	s7 =	sld [smem:$0x3FA3]  }
0x2d: {  	s3 =	simm.s32 $0x108;
	s8 =	sld [smem:$0x3FA4]  }
0x2e: {  	s3 =	simm.s32 @!p0 $0x1082;
	s9 =	sld [smem:$0x3FA5]  }
0x2f: {  	lr =	sadd.s32 s0, s3;
	s0 =	sld [smem:$0x3F9C]  }
0x30: {  	s3 =	sld [smem:$0x3F9F]  }
0x31: {  	[smem:$0x3FA8] =	sst s10  }
0x32: {  	s10 =	sld [smem:$0x3FA6];
	_ =	sdelay $0x3  }
0x33: {  	p0 =	seq.s32 s10, $0x1;
	s10 =	sld [smem:$0x3FA8];
	_ =	sdelay $0x3  }
0x34: {  	[smem:$0x3FA8] =	sst s10  }
0x35: {  	s10 =	sld [smem:$0x3FA7];
	_ =	sdelay $0x3  }
0x36: {  	p1 =	seq.s32 s10, $0x1;
	s10 =	sld [smem:$0x3FA8];
	_ =	sdelay $0x3  }
0x37: {  	[smem:$0x3FA8] =	sst s10  }
0x38: {  	s10 =	sld [smem:$0x3FA9]  }
0x39: {  	_ = 	snop;
	(pc) =	sbr.ind lr, $3  }
0x3a: {  	_ = 	snop  }
0x3b: {  	_ = 	snop  }
0x3c: {  	p2 =	seq.s32 s10, $0x1;
	s10 =	sld [smem:$0x3FA8]  }
0x3d: {  	_ =	shalt  }
0x3e: {  	_ =	shalt  }
0x3f: {  	_ =	shalt  }
0x40: {  	_ =	shalt  }
0x41: {  	_ =	shalt  }
0x42: {  	_ =	shalt  }
0x43: {  	_ =	shalt  }
0x44: {  	_ =	shalt  }
0x45: {  	_ =	shalt  }
0x46: {  	_ =	shalt  }
0x47: {  	_ =	shalt  }
0x48: {  	_ =	shalt  }
0x49: {  	_ =	shalt  }
0x4a: {  	_ =	shalt  }
0x4b: {  	_ =	shalt  }
0x4c: {  	_ =	shalt  }
0x4d: {  	_ =	shalt  }
0x4e: {  	_ =	shalt  }
0x4f: {  	_ =	shalt  }
0x50: {  	_ =	shalt  }
0x51: {  	_ =	shalt  }
0x52: {  	_ =	shalt  }
0x53: {  	_ =	shalt  }
0x54: {  	_ =	shalt  }
0x55: {  	_ =	shalt  }
0x56: {  	_ =	shalt  }
0x57: {  	_ =	shalt  }
0x58: {  	_ =	shalt  }
0x59: {  	_ =	shalt  }
0x5a: {  	_ =	shalt  }
0x5b: {  	_ =	shalt  }
0x5c: {  	_ =	shalt  }
0x5d: {  	_ =	shalt  }
0x5e: {  	_ =	shalt  }
0x5f: {  	_ =	shalt  }
0x60: {  	_ =	shalt  }
0x61: {  	_ =	shalt  }
0x62: {  	_ =	shalt  }
0x63: {  	_ =	shalt  }
0x64: {  	_ =	shalt  }
0x65: {  	_ =	shalt  }
0x66: {  	_ =	shalt  }
0x67: {  	_ =	shalt  }
0x68: {  	_ =	shalt  }
0x69: {  	_ =	shalt  }
0x6a: {  	_ =	shalt  }
0x6b: {  	_ =	shalt  }
0x6c: {  	_ =	shalt  }
0x6d: {  	_ =	shalt  }
0x6e: {  	_ =	shalt  }
0x6f: {  	_ =	shalt  }
0x70: {  	_ =	shalt  }
0x71: {  	_ =	shalt  }
0x72: {  	_ =	shalt  }
0x73: {  	_ =	shalt  }
0x74: {  	_ =	shalt  }
0x75: {  	_ =	shalt  }
0x76: {  	_ =	shalt  }
0x77: {  	_ =	shalt  }
0x78: {  	_ =	shalt  }
0x79: {  	_ =	shalt  }
0x7a: {  	_ =	shalt  }
0x7b: {  	_ =	shalt  }
0x7c: {  	_ =	shalt  }
0x7d: {  	_ =	shalt  }
0x7e: {  	_ =	shalt  }
0x7f: {  	_ =	shalt  }
0x80: {  	_ =	shalt  }
0x81: {  	_ =	shalt  }
0x82: {  	_ =	shalt  }
0x83: {  	_ =	shalt  }
0x84: {  	_ =	shalt  }
0x85: {  	_ =	shalt  }
0x86: {  	_ =	shalt  }
0x87: {  	_ =	shalt  }
.Lfunc_end0:
.L_simem_size_0:
called_computation_lowered:
.L_overlay_start_0:
0x88: {  	s2 =	sld [smem:$0x3FD9]  }
0x89: {  	s3 =	sld [smem:$0x3FFE];
	_ =	sdelay $0x1  }
0x8a: {  	s1 =	srdreg.scid  }
0x8b: {  	s0 =	sand.u32 $0x1, s1  }
0x8c: {  	s14 =	sshll.u32 s0, $0xA;
	s2 =	sadd.s32 s3, s2  }
0x8d: {  	s2 =	sadd.s32 s2, s14  }
0x8e: {  	[smem:$0x3FB4] =	sst s2  }
0x8f: {  	_ = 	snop  }
0x90: {  	s2 =	sld [smem:$0x3FD0];
	_ =	sdelay $0x2  }
0x91: {  	s15 =	simm.s32 $0xA;
	s4 =	simm.s32 $0x10  }
0x92: {  	[smem:s4], [sflag:s15] =	dma.local [hbm:s2], $0x1  }
0x93: {  	_ =	swait.eq [sflag:s15], $0x1  }
0x94: {  	[sflag:s15] =	ssyncset.done $0x0  }
0x95: {  	s16 =	sld [smem:$0x10];
	[sflag:s15] =	ssyncadd.s32 $0xFFFFFFFF  }
0x96: {  	s17 =	sld [smem:$0x11];
	(tm) =	ssettm $0x1  }
0x97: {  	s18 =	sld [smem:$0x3FFB];
	_ =	sdelay $0x3  }
0x98: {  	_ =	strace s18  }
0x99: {  	s4 =	sld [smem:$0x3FFC];
	_ =	sdelay $0x3  }
0x9a: {  	_ =	strace s4  }
0x9b: {  	s4 =	sld [smem:$0x3FFD];
	_ =	sdelay $0x3  }
0x9c: {  	_ =	strace s4  }
0x9d: {  	_ =	strace $0x8FFFFFFF  }
0x9e: {  	s19 =	sld [smem:$0x3FDB];
	_ =	sdelay $0x1  }
0x9f: {  	s5 =	simm.s32 $_scs_section_size  }
0xa0: {  	s6 =	simm.s32 $_size__tile_overlayer_lowered;
	s7 =	simm.s32 $_tile_overlayer_lowered  }
0xa1: {  	s22 =	simm.s32 $0x1BFF;
	s21 =	sshll.u32 s7, $0x1;
	s4 =	sadd.s32 s5, s19  }
0xa2: {  	s8 =	simm.s32 $0x0;
	s20 =	sshll.u32 s6, $0x1;
	s6 =	sadd.s32 s21, s4  }
0xa3: {  	[timem:s8], [sflag:s22] =	dma.local [hbm:s6], s20  }
0xa4: {  	_ =	swait.ge [sflag:s22], s20  }
0xa5: {  	s5 =	ssub.s32 $0x0, s20;
	[sflag:s22] =	ssyncset.done $0x0  }
0xa6: {  	[sflag:s22] =	ssyncadd.s32 s5;
	_ =	sdelay $0x1  }
0xa7: {  	s23 =	simm.s32 $0x1B8B  }
0xa8: {  	_ =	swait.ge [sflag:s23], $0x1  }
0xa9: {  	[sflag:s23] =	ssyncset.done $0x0  }
0xaa: {  	s25 =	simm.s32 $0x1B8E;
	s24 =	sld [smem:$0x3FFE];
	[sflag:s23] =	ssyncadd.s32 $0xFFFFFFFF  }
0xab: {  	s26 =	simm.s32 $execute0_lowered;
	[smem:$0x3FD2] =	sst s25  }
0xac: {  	s6 =	sshll.u32 s26, $0x1;
	_ =	strace $0x80000046;
	[dreg:$0x1] =	wrdreg $0xFFFFFFFF  }
0xad: {  	s28 =	simm.s32 $_size_execute0_lowered;
	s4 =	sadd.s32 s4, s6;
	[dreg:$0x0] =	wrdreg $0x0  }
0xae: {  	s6 =	sshll.u32 s28, $0x1;
	[dreg:$0x2] =	wrdreg s4  }
0xaf: {  	[dreg:$0x3] =	wrdreg s6  }
0xb0: {  	[dreg:$0x4] =	wrdreg $0xC0  }
0xb1: {  	_ =	task [dreg:s8], $0x5FFFF  }
0xb2: {  	[dreg:$0x1] =	wrdreg $0xFFFFFFFF  }
0xb3: {  	[dreg:$0x0] =	wrdreg $0x60  }
0xb4: {  	[dreg:$0x2] =	wrdreg s16  }
0xb5: {  	[dreg:$0x3] =	wrdreg s17  }
0xb6: {  	[dreg:$0x4] =	wrdreg s24  }
0xb7: {  	[dreg:$0x5] =	wrdreg $0x41E00  }
0xb8: {  	[dreg:$0x6] =	wrdreg $0x9  }
0xb9: {  	_ =	task.clear_ibuf [dreg:s8], $0x7FFFF;
	_ =	strace $0x90000046  }
0xba: {  	s29 =	simm.s32 $0x9;
	_ =	strace $0x80000048  }
0xbb: {  	_ =	swait.ge [sflag:s29], $0x1  }
0xbc: {  	[sflag:s29] =	ssyncadd.s32 $0xFFFFFFFF  }
0xbd: {  	_ =	strace $0x90000048  }
0xbe: {  	_ =	sfence  }
0xbf: {  	s30 =	sld [smem:$0x0];
	_ =	sdelay $0x2  }
0xc0: {  	s31 =	sshll.u32 s1, $0xD;
	s1 =	sshrl.u32 s1, $0x2  }
0xc1: {  	s3 =	sand.u32 $0x4000, s31;
	s1 =	sadd.s32 s1, s30  }
0xc2: {  	s0 =	sor.u32 s3, s0;
	s1 =	sshll.u32 s1, $0x11  }
0xc3: {  	s0 =	sor.u32 s1, s0  }
0xc4: {  	s0 =	sadd.s32 $0x8F2B, s0  }
0xc5: {  	[sflag:s0] =	ssyncadd.remote.s32 $0x1  }
0xc6: {  	_ =	sfence.sel $0xFFFF  }
0xc7: {  	[dreg:$0x0] =	wrdreg $0xFFFFFFFF;
	(pc) =	sbr.abs _section_cstart, $3  }
0xc8: {  	[dreg:$0x1] =	wrdreg $0xFFFFFFFF  }
0xc9: {  	_ =	task.clear_ibuf [dreg:s8], $0x2FFFF;
	_ =	strace $0x9FFFFFFF  }
0xca: {  	(tm) =	ssettm $0x7FFFFFFF  }
0xcb: {  	_ =	shalt  }
tec
execute0_lowered:
.L_overlay_start_1:
0x0: {  	(tag) =	ssettag $0x1  }
0x1: {  	s1 =	rddreg [dreg:$0x0]  }
0x2: {  	s2 =	rddreg [dreg:$0x1]  }
0x3: {  	s10 =	rddreg [dreg:$0x2]  }
0x4: {  	s4 =	rddreg [dreg:$0x3]  }
0x5: {  	s0 =	rddreg [dreg:$0x4]  }
0x6: {  	s6 =	srdreg.scid;
	s3 =	stileid.u32  }
0x7: {  	s5 =	simm.s32 $0x0;
	s17 =	simm.s32 $0x50;
	s18 =	simm.s32 $0xA0  }
0x8: {  	s19 =	simm.s32 $0x14A0;
	s20 =	simm.s32 $0x1;
	s21 =	simm.s32 $0x28A0  }
0x9: {  	s22 =	simm.s32 $0x0;
	s11 =	sand.u32 $0x1, s6;
	s12 =	smul.u32 $0xC580, s3  }
0xa: {  	[smem:$0x7FF] =	sst s5;
	s6 =	sadd.s32 $0x2B000, s10;
	s7 =	sadd.s32 $0x3EA00, s10  }
0xb: {  	s31 =	sshll.u32 s3, $0x1;
	s15 =	sshll.u32 s3, $0x6;
	s8 =	smul.u32 $0xC5800, s11  }
0xc: {  	_ =	strace $0x80000047;
	s14 =	ssub.s32 $0x2, s11;
	s11 =	sor.u32 s11, s31  }
0xd: {  	s30 =	sshrl.u32 s14, $0x1;
	s16 =	sadd.s32 s12, s4;
	s9 =	sadd.s32 s12, s8  }
0xe: {  	s11 =	smul.u32 $0x2710, s11;
	s8 =	sadd.s32 $0x3C00, s10;
	s13 =	sshrl.u32 s9, $0x3  }
0xf: {  	s14 =	ssub.s32 s14, s30;
	s9 =	sadd.s32 $0x52400, s10;
	s13 =	sadd.s32 s13, s10  }
0x10: {  	vm0 =	vmmov $0x1;
	s10 =	sor.u32 $0x1C02, s15;
	s15 =	simm.s32 $0x2;
	s12 =	sadd.s32 $0x53E00, s13  }
0x11: {  	vm1 =	vcmask $0x310;
	vm2 =	vcmask $0x710;
	vm3 =	vcmask $0xB10;
	s13 =	smax.u32 s14, $0x1;
	s14 =	sshrl.u32 s16, $0x3;
	s16 =	simm.s32 $0x41A0  }
.LBB2_1:
0x12: {  	[spmem:s14], [sflag:s10] =	dma.local [hbm:s9], $0x18B0  }
0x13: {  	_ =	swait.ge [sflag:s15], $0x18B0  }
0x14: {  	[sflag:s15] =	ssyncset.done $0x0  }
0x15: {  	[sflag:s15] =	ssyncadd.s32 $0xFFFFE750  }
0x16: {  	[tilespmem:s16], [sflag:$0x2] =	stream.linear.gather [hbm4b:s8+s5], $0x40, $0x38;
	[tilespmem:$0x10760] =	vst v63  }
0x17: {  	_ =	swait.ge [sflag:s15], $0x40  }
0x18: {  	[sflag:s15] =	ssyncset.done $0x0  }
0x19: {  	[sflag:s15] =	ssyncadd.s32 $0xFFFFFFC0  }
0x1a: {  	[bflag:$0x0] =	sbarrier.arrive $0xFFFF  }
0x1b: {  	v0 =	vld [tilespmem:$0x41A0]  }
0x1c: {  	v1 =	vld [tilespmem:$0x41B0]  }
0x1d: {  	v2 =	vld [tilespmem:$0x41C0]  }
0x1e: {  	s23 =	simm.s32 $0x0;
	v3 =	vld [tilespmem:$0x41D0]  }
.LBB2_2:
0x1f: {  	s24 =	smul.u32 $0x50, s23;
	_ =	sdelay $0x1  }
0x20: {  	s24 =	sadd.s32 s11, s24  }
0x21: {  	s24 =	sshrl.u32 s24, $0x3  }
0x22: {  	s25 =	sadd.s32 s1, s24  }
0x23: {  	[tilespmem:s5], [sflag:$0x2] =	stream.linear.gather [hbm4b:s25+s5], $0x50, $0x38;
	[tilespmem:$0x10760] =	vst v63  }
0x24: {  	_ =	swait.ge [sflag:s15], $0x50  }
0x25: {  	[sflag:s15] =	ssyncset.done $0x0  }
0x26: {  	s24 =	sadd.s32 s2, s24;
	[sflag:s15] =	ssyncadd.s32 $0xFFFFFFB0  }
0x27: {  	[tilespmem:s17], [sflag:$0x2] =	stream.linear.gather [hbm4b:s24+s5], $0x50, $0x38;
	[tilespmem:$0x10760] =	vst v63  }
0x28: {  	_ =	swait.ge [sflag:s15], $0x50  }
0x29: {  	[sflag:s15] =	ssyncset.done $0x0  }
0x2a: {  	[sflag:s15] =	ssyncadd.s32 $0xFFFFFFB0  }
0x2b: {  	[tilespmem:s18], [sflag:$0x1] =	stream.indirect.gather [hbm4b:s6+s17], $0x40, s5, s17, $0xb8;
	[tilespmem:$0x10760] =	vst v63  }
0x2c: {  	_ = 	snop  }
0x2d: {  	[tilespmem:s19], [sflag:$0x1] =	stream.indirect.gather [hbm4b:s7+s17], $0x40, s17, s17, $0xb8;
	[tilespmem:$0x10760] =	vst v63  }
0x2e: {  	_ =	swait.ge [sflag:s20], $0x1400  }
0x2f: {  	[sflag:s20] =	ssyncset.done $0x0  }
0x30: {  	[sflag:s20] =	ssyncadd.s32 $0xFFFFEC00  }
0x31: {  	_ =	swait.ge [sflag:s20], $0x1400  }
0x32: {  	s26 =	simm.s32 $0xE0;
	s28 =	simm.s32 $0x28F0;
	[sflag:s20] =	ssyncset.done $0x0  }
0x33: {  	s25 =	simm.s32 $0x14E0;
	s24 =	simm.s32 $0xFFFFFFFE;
	[sflag:s20] =	ssyncadd.s32 $0xFFFFEC00  }
.LBB2_3:
0x34: {  	v4 =	vld [tilespmem:s26+$0xFFFFFFC0]  }
0x35: {  	v5 =	vld [tilespmem:s25+$0xFFFFFFC0];
	_ =	sdelay $0x4  }
0x36: {  	v5 =	vadd.f32 v5, v4;
	_ =	sdelay $0x1  }
0x37: {  	v6 =	vmul.f32 $2.000000030e-01, v5;
	_ =	sdelay $0x1  }
0x38: {  	v5 =	vmax.f32 v5, v6  }
0x39: {  	v5 =	vmul.f32 v5, v0;
	_ =	sdelay $0x1  }
0x3a: {  	(xrf2) =	vadd.scan.msk.f32 $0xffff, v5;
	_ =	sdelay $0x9  }
0x3b: {  	v5, _, _ =	vpop (xrf2)  }
0x3c: {  	v5 =	vmul.f32 $1.442695020e+00, v5;
	_ =	sdelay $0x1  }
0x3d: {  	v5 =	vbroadcast v5, $0xF;
	_ =	sdelay $0x1  }
0x3e: {  	(erf) = vpow2.f32 v5;
	_ =	sdelay $0x8  }
0x3f: {  	v5 =	vpop (erf)  }
0x40: {  	v4 =	vmul.f32 v5, v4;
	_ =	sdelay $0x1  }
0x41: {  	[tilespmem:s28+$0xFFFFFFB0] =	vst v4  }
0x42: {  	v4 =	vld [tilespmem:s26+$0xFFFFFFD0]  }
0x43: {  	v54 =	vld [tilespmem:s25+$0xFFFFFFD0];
	_ =	sdelay $0x4  }
0x44: {  	v6 =	vadd.f32 v54, v4;
	_ =	sdelay $0x1  }
0x45: {  	v7 =	vmul.f32 $2.000000030e-01, v6;
	_ =	sdelay $0x1  }
0x46: {  	v6 =	vmax.f32 v6, v7  }
0x47: {  	v6 =	vmul.f32 v6, v1;
	_ =	sdelay $0x1  }
0x48: {  	(xrf2) =	vadd.scan.msk.f32 $0xffff, v6;
	_ =	sdelay $0x9  }
0x49: {  	v6, _, _ =	vpop (xrf2)  }
0x4a: {  	v6 =	vmul.f32 $1.442695020e+00, v6;
	_ =	sdelay $0x1  }
0x4b: {  	v6 =	vbroadcast v6, $0xF;
	_ =	sdelay $0x1  }
0x4c: {  	(erf) = vpow2.f32 v6;
	_ =	sdelay $0x8  }
0x4d: {  	v6 =	vpop (erf)  }
0x4e: {  	v4 =	vmul.f32 v6, v4;
	_ =	sdelay $0x1  }
0x4f: {  	[tilespmem:s28+$0xFFFFFFC0] =	vst v4  }
0x50: {  	v4 =	vld [tilespmem:s26+$0xFFFFFFE0]  }
0x51: {  	v55 =	vld [tilespmem:s25+$0xFFFFFFE0];
	_ =	sdelay $0x4  }
0x52: {  	v7 =	vadd.f32 v55, v4;
	_ =	sdelay $0x1  }
0x53: {  	v8 =	vmul.f32 $2.000000030e-01, v7;
	_ =	sdelay $0x1  }
0x54: {  	v7 =	vmax.f32 v7, v8  }
0x55: {  	v7 =	vmul.f32 v7, v2;
	_ =	sdelay $0x1  }
0x56: {  	(xrf2) =	vadd.scan.msk.f32 $0xffff, v7;
	_ =	sdelay $0x9  }
0x57: {  	v7, _, _ =	vpop (xrf2)  }
0x58: {  	v7 =	vmul.f32 $1.442695020e+00, v7;
	_ =	sdelay $0x1  }
0x59: {  	v7 =	vbroadcast v7, $0xF;
	_ =	sdelay $0x1  }
0x5a: {  	(erf) = vpow2.f32 v7;
	_ =	sdelay $0x8  }
0x5b: {  	v7 =	vpop (erf)  }
0x5c: {  	v4 =	vmul.f32 v7, v4;
	_ =	sdelay $0x1  }
0x5d: {  	[tilespmem:s28+$0xFFFFFFD0] =	vst v4  }
0x5e: {  	v4 =	vld [tilespmem:s26+$0xFFFFFFF0]  }
0x5f: {  	v56 =	vld [tilespmem:s25+$0xFFFFFFF0];
	_ =	sdelay $0x4  }
0x60: {  	v8 =	vadd.f32 v56, v4;
	_ =	sdelay $0x1  }
0x61: {  	v9 =	vmul.f32 $2.000000030e-01, v8;
	_ =	sdelay $0x1  }
0x62: {  	v8 =	vmax.f32 v8, v9  }
0x63: {  	v8 =	vmul.f32 v8, v3;
	_ =	sdelay $0x1  }
0x64: {  	(xrf2) =	vadd.scan.msk.f32 $0xffff, v8;
	_ =	sdelay $0x9  }
0x65: {  	v8, _, _ =	vpop (xrf2)  }
0x66: {  	v8 =	vmul.f32 $1.442695020e+00, v8;
	_ =	sdelay $0x1  }
0x67: {  	v8 =	vbroadcast v8, $0xF;
	_ =	sdelay $0x1  }
0x68: {  	(erf) = vpow2.f32 v8;
	_ =	sdelay $0x8  }
0x69: {  	v5 =	vnsel vm0, $0x0, v5;
	v8 =	vpop (erf)  }
0x6a: {  	v5 =	vsel vm1, v5, v6;
	v4 =	vmul.f32 v8, v4  }
0x6b: {  	v5 =	vsel vm2, v5, v7  }
0x6c: {  	[tilespmem:s28+$0xFFFFFFE0] =	vst v4;
	v4 =	vsel vm3, v5, v8  }
0x6d: {  	[tilespmem:s28+$0xFFFFFFF0] =	vst v4  }
0x6e: {  	v4 =	vld [tilespmem:s26+$0x0]  }
0x6f: {  	v5 =	vld [tilespmem:s25+$0x0];
	_ =	sdelay $0x4  }
0x70: {  	v5 =	vadd.f32 v5, v4;
	_ =	sdelay $0x1  }
0x71: {  	v57 =	vmul.f32 $2.000000030e-01, v5;
	_ =	sdelay $0x1  }
0x72: {  	v5 =	vmax.f32 v5, v57  }
0x73: {  	v5 =	vmul.f32 v5, v0;
	_ =	sdelay $0x1  }
0x74: {  	(xrf2) =	vadd.scan.msk.f32 $0xffff, v5;
	_ =	sdelay $0x9  }
0x75: {  	v5, _, _ =	vpop (xrf2)  }
0x76: {  	v5 =	vmul.f32 $1.442695020e+00, v5;
	_ =	sdelay $0x1  }
0x77: {  	v5 =	vbroadcast v5, $0xF;
	_ =	sdelay $0x1  }
0x78: {  	(erf) = vpow2.f32 v5;
	_ =	sdelay $0x8  }
0x79: {  	v5 =	vpop (erf)  }
0x7a: {  	v4 =	vmul.f32 v5, v4;
	_ =	sdelay $0x1  }
0x7b: {  	[tilespmem:s28+$0x0] =	vst v4  }
0x7c: {  	v4 =	vld [tilespmem:s26+$0x10]  }
0x7d: {  	v58 =	vld [tilespmem:s25+$0x10];
	_ =	sdelay $0x4  }
0x7e: {  	v6 =	vadd.f32 v58, v4;
	_ =	sdelay $0x1  }
0x7f: {  	v59 =	vmul.f32 $2.000000030e-01, v6;
	_ =	sdelay $0x1  }
0x80: {  	v6 =	vmax.f32 v6, v59  }
0x81: {  	v6 =	vmul.f32 v6, v1;
	_ =	sdelay $0x1  }
0x82: {  	(xrf2) =	vadd.scan.msk.f32 $0xffff, v6;
	_ =	sdelay $0x9  }
0x83: {  	v6, _, _ =	vpop (xrf2)  }
0x84: {  	v6 =	vmul.f32 $1.442695020e+00, v6;
	_ =	sdelay $0x1  }
0x85: {  	v6 =	vbroadcast v6, $0xF;
	_ =	sdelay $0x1  }
0x86: {  	(erf) = vpow2.f32 v6;
	_ =	sdelay $0x8  }
0x87: {  	v6 =	vpop (erf)  }
0x88: {  	v4 =	vmul.f32 v6, v4;
	_ =	sdelay $0x1  }
0x89: {  	[tilespmem:s28+$0x10] =	vst v4  }
0x8a: {  	v4 =	vld [tilespmem:s26+$0x20]  }
0x8b: {  	v60 =	vld [tilespmem:s25+$0x20];
	_ =	sdelay $0x4  }
0x8c: {  	v7 =	vadd.f32 v60, v4;
	_ =	sdelay $0x1  }
0x8d: {  	v61 =	vmul.f32 $2.000000030e-01, v7;
	_ =	sdelay $0x1  }
0x8e: {  	v7 =	vmax.f32 v7, v61  }
0x8f: {  	v7 =	vmul.f32 v7, v2;
	_ =	sdelay $0x1  }
0x90: {  	(xrf2) =	vadd.scan.msk.f32 $0xffff, v7;
	_ =	sdelay $0x9  }
0x91: {  	v7, _, _ =	vpop (xrf2)  }
0x92: {  	v7 =	vmul.f32 $1.442695020e+00, v7;
	_ =	sdelay $0x1  }
0x93: {  	v7 =	vbroadcast v7, $0xF;
	_ =	sdelay $0x1  }
0x94: {  	(erf) = vpow2.f32 v7;
	_ =	sdelay $0x8  }
0x95: {  	v7 =	vpop (erf)  }
0x96: {  	v4 =	vmul.f32 v7, v4;
	_ =	sdelay $0x1  }
0x97: {  	[tilespmem:s28+$0x20] =	vst v4  }
0x98: {  	v4 =	vld [tilespmem:s26+$0x30]  }
0x99: {  	v62 =	vld [tilespmem:s25+$0x30];
	_ =	sdelay $0x4  }
0x9a: {  	v8 =	vadd.f32 v62, v4;
	_ =	sdelay $0x1  }
0x9b: {  	v63 =	vmul.f32 $2.000000030e-01, v8;
	_ =	sdelay $0x1  }
0x9c: {  	v8 =	vmax.f32 v8, v63  }
0x9d: {  	v8 =	vmul.f32 v8, v3;
	_ =	sdelay $0x1  }
0x9e: {  	(xrf2) =	vadd.scan.msk.f32 $0xffff, v8;
	_ =	sdelay $0x9  }
0x9f: {  	v8, _, _ =	vpop (xrf2)  }
0xa0: {  	v8 =	vmul.f32 $1.442695020e+00, v8;
	_ =	sdelay $0x1  }
0xa1: {  	v8 =	vbroadcast v8, $0xF;
	_ =	sdelay $0x1  }
0xa2: {  	(erf) = vpow2.f32 v8;
	_ =	sdelay $0x6  }
0xa3: {  	s24 =	sadd.s32 $0x2, s24  }
0xa4: {  	p0 =	slt.u32 s24, $0x4E  }
.Ltmp0:
0xa5: {  	v5 =	vnsel vm0, $0x0, v5;
	v8 =	vpop (erf);
	(pc) =	sbr.rel @p0 .LBB2_3-.Ltmp0, $4  }
0xa6: {  	v5 =	vsel vm1, v5, v6;
	v4 =	vmul.f32 v8, v4  }
0xa7: {  	v5 =	vsel vm2, v5, v7  }
0xa8: {  	[tilespmem:s28+$0x30] =	vst v4;
	v4 =	vsel vm3, v5, v8  }
0xa9: {  	s25 =	sadd.s32 $0x80, s25;
	s26 =	sadd.s32 $0x80, s26;
	[tilespmem:s28+$0x40] =	vst v4;
	s28 =	sadd.s32 $0xA0, s28  }
0xaa: {  	s23 =	sadd.s32 $0x1, s23  }
0xab: {  	p0 =	sne.s32 s23, $0x7D  }
.Ltmp1:
0xac: {  	_ = 	snop;
	(pc) =	sbr.rel @p0 .LBB2_2-.Ltmp1, $4  }
0xad: {  	[spmem:s4] =	stream.indirect.scatter.add.f32 [tilespmem:s21], [sflag:$0x2], $0x50, s17, s17, $0xb8;
	[tilespmem:$0x10760] =	vst v63  }
0xae: {  	_ =	swait.ge [sflag:s15], $0x1900  }
0xaf: {  	[sflag:s15] =	ssyncset.done $0x0  }
0xb0: {  	[sflag:s15] =	ssyncadd.s32 $0xFFFFE700  }
0xb1: {  	s22 =	sadd.s32 $0x1, s22  }
0xb2: {  	p0 =	sne.s32 s22, s13  }
.Ltmp2:
0xb3: {  	[bflag:$0x0] =	sbarrier.arrive $0xFFFF;
	(pc) =	sbr.rel @p0 .LBB2_1-.Ltmp2, $4  }
0xb4: {  	[hbm:s12], [sflag:s10] =	dma.local [spmem:s14], $0x18B0  }
0xb5: {  	_ =	swait.ge [sflag:s15], $0x18B0  }
0xb6: {  	[sflag:s15] =	ssyncset.done $0x0  }
0xb7: {  	[sflag:s15] =	ssyncadd.s32 $0xFFFFE750  }
0xb8: {  	_ =	sfence.sel $0x180000  }
0xb9: {  	[bflag:$0x0] =	sbarrier.arrive $0xFFFF  }
0xba: {  	p0 =	sne.s32 s3, $0x0;
	_ =	strace $0x90000047  }
0xbb: {  	s0 =	sadd.s32 @!p0 $0x100000, s0;
	[bflag:$0x2] =	sbarrier.arrive $0xFFFF  }
0xbc: {  	[sflag:s0] =	ssyncadd.tile.s32 @!p0 $0x1;
	_ =	shalt  }
.Lfunc_end2:
_tile_overlayer_lowered:
.L_overlay_start_2:
0xbd: {  	(tag) =	ssettag $0x2  }
0xbe: {  	s0 =	rddreg [dreg:$0x0];
	s2 =	stileid.u32  }
0xbf: {  	s1 =	rddreg [dreg:$0x1];
	p0 =	sne.s32 s2, $0x0  }
0xc0: {  	s3 =	rddreg [dreg:$0x2];
	[bflag:$0x3] =	sbarrier.arrive $0xFFFF;
	s2 =	simm.s32 @!p0 $0x1C02  }
0xc1: {  	[timem:s3], [sflag:s2] =	dma.local @!p0 [hbm:s0], s1  }
0xc2: {  	s0 =	simm.s32 @!p0 $0x2  }
0xc3: {  	_ =	swait.ge @!p0 [sflag:s0], s1  }
0xc4: {  	s1 =	ssub.s32 @!p0 $0x0, s1;
	[sflag:s0] =	ssyncset.done @!p0 $0x0  }
0xc5: {  	[sflag:s0] =	ssyncadd.s32 @!p0 s1  }
0xc6: {  	[bflag:$0x3] =	sbarrier.arrive $0xFFFF  }
0xc7: {  	_ =	shalt  }

</sc_bundles>
